<compile_context>
chip_gen: v7x
topology: tpu7x:2x2x1
jax: 0.10.2.dev20260603
libtpu: 0.0.44.dev20260713+nightly
codegen_flags: <defaults>
</compile_context>

<pallas_src>
import functools

import jax
import jax.numpy as jnp
from jax import lax
from jax.experimental import pallas as pl
from jax.experimental.pallas import tpu as pltpu
from jax.experimental.pallas import tpu_sc as plsc

N_USER = 5000
N_ITEM = 5000
N_NODES = N_USER + N_ITEM
D = 128
DW = 16
E = 100000
E_CORE = 150000
NC = 2
NS = 16
CHUNK = 48
N_CHUNK = 198
E_TILE = N_CHUNK * CHUNK
E_PAD = NS * E_TILE
N_ACC = 10016
ROWS_TILE = N_ACC // NS


def _sc_segment_sums(table, src_idx, dst_idx, zrows, zdeg, ones_rows):

  mesh = plsc.VectorSubcoreMesh(
      core_axis_name="c", subcore_axis_name="s", num_cores=NC, num_subcores=NS)

  @functools.partial(
      pl.kernel,
      out_type=(jax.ShapeDtypeStruct((NC, N_ACC, D), jnp.float32),
                jax.ShapeDtypeStruct((NC, N_ACC, DW), jnp.float32)),
      mesh=mesh,
      scratch_types=[
          pltpu.VMEM_SHARED((N_ACC, D), jnp.float32),
          pltpu.VMEM_SHARED((N_ACC, DW), jnp.float32),
          pltpu.VMEM((N_CHUNK, CHUNK), jnp.int32),
          pltpu.VMEM((N_CHUNK, CHUNK), jnp.int32),
          pltpu.VMEM((CHUNK, D), jnp.float32),
          pltpu.VMEM((CHUNK, D), jnp.float32),
          pltpu.VMEM((CHUNK, D), jnp.float32),
          pltpu.VMEM((CHUNK, DW), jnp.float32),
          pltpu.SemaphoreType.DMA,
          pltpu.SemaphoreType.DMA,
          pltpu.SemaphoreType.DMA,
      ],
      compiler_params=pltpu.CompilerParams(use_tc_tiling_on_sc=False),
  )
  def kern(table_hbm, src_hbm, dst_hbm, zrows_hbm, zdeg_hbm, ones_hbm,
           out_hbm, deg_hbm, acc, deg, src_v, dst_v, rows_a, rows_b, rows_c,
           ones_v, sem, sem_s, sem_d):
    c = lax.axis_index("c")
    s = lax.axis_index("s")

    pltpu.sync_copy(zrows_hbm, acc.at[pl.ds(s * ROWS_TILE, ROWS_TILE)])
    pltpu.sync_copy(zdeg_hbm, deg.at[pl.ds(s * ROWS_TILE, ROWS_TILE)])
    pltpu.sync_copy(ones_hbm, ones_v)
    pltpu.sync_copy(src_hbm.at[c, s], src_v)
    pltpu.sync_copy(dst_hbm.at[c, s], dst_v)
    plsc.subcore_barrier()

    rows = (rows_a, rows_b, rows_c)

    def wait_gather(buf):
      pltpu.make_async_copy(table_hbm.at[src_v.at[0]], buf, sem).wait()

    def wait_scatter(buf):
      pltpu.make_async_copy(buf, acc.at[dst_v.at[0]], sem_s).wait()

    pltpu.async_copy(table_hbm.at[src_v.at[0]], rows_a, sem)
    pltpu.async_copy(table_hbm.at[src_v.at[1]], rows_b, sem)

    def body(t, carry):
      for k in range(3):
        j = 3 * t + k
        p = k % 3
        wait_gather(rows[p])
        pltpu.async_copy(rows[p], acc.at[dst_v.at[j]], sem_s, add=True)

        @pl.when(j >= 1)
        def _():
          wait_scatter(rows[(p + 2) % 3])

        @pl.when(j + 2 < N_CHUNK)
        def _():
          pltpu.async_copy(table_hbm.at[src_v.at[j + 2]], rows[(p + 2) % 3],
                           sem)

      return carry

    lax.fori_loop(0, N_CHUNK // 3, body, 0, unroll=False)
    wait_scatter(rows_a)

    DEPTH = 8

    def wait_deg():
      pltpu.make_async_copy(zdeg_hbm.at[pl.ds(0, CHUNK)], ones_v, sem_d).wait()

    def deg_body(j, carry):
      pltpu.async_copy(ones_v, deg.at[dst_v.at[j]], sem_d, add=True)

      @pl.when(j >= DEPTH)
      def _():
        wait_deg()

      return carry

    lax.fori_loop(0, N_CHUNK, deg_body, 0, unroll=False)
    for _ in range(DEPTH):
      wait_deg()

    plsc.subcore_barrier()
    pltpu.sync_copy(acc.at[pl.ds(s * ROWS_TILE, ROWS_TILE)],
                    out_hbm.at[c, pl.ds(s * ROWS_TILE, ROWS_TILE)])
    pltpu.sync_copy(deg.at[pl.ds(s * ROWS_TILE, ROWS_TILE)],
                    deg_hbm.at[c, pl.ds(s * ROWS_TILE, ROWS_TILE)])

  return kern(table, src_idx, dst_idx, zrows, zdeg, ones_rows)


def _tc_body(a_ref, v_ref, p0_ref, p1_ref, pb_ref, d0_ref, d1_ref, db_ref,
             out_ref):
  i = pl.program_id(0)
  w = [a_ref[r, 0] * v_ref[0] + a_ref[r, 1] * v_ref[1] for r in range(3)]
  x0 = p0_ref[0]

  @pl.when(i < 5)
  def _user():
    d = jnp.maximum(d0_ref[0][:, :1], 1.0)
    out_ref[...] = jnp.maximum(
        jnp.dot(x0, w[0], preferred_element_type=jnp.float32) / d, 0.0)

  @pl.when(i >= 5)
  def _item():
    a_blk = x0 + p1_ref[0]
    da = jnp.maximum(d0_ref[0][:, :1] + d1_ref[0][:, :1], 1.0)
    db = jnp.maximum(db_ref[0][:, :1], 1.0)
    out_ref[...] = jnp.maximum(
        jnp.dot(a_blk, w[1], preferred_element_type=jnp.float32) / da
        + jnp.dot(pb_ref[0], w[2], preferred_element_type=jnp.float32) / db,
        0.0)


def _tc_combine(partials, degs, a, v):
  blk = 1000
  grid = (N_NODES // blk,)

  def pspec(fn):
    return pl.BlockSpec((1, blk, D), fn)

  def dspec(fn):
    return pl.BlockSpec((1, blk, DW), fn)

  return pl.pallas_call(
      _tc_body,
      grid=grid,
      in_specs=[
          pl.BlockSpec((3, 2), lambda i: (0, 0), memory_space=pltpu.SMEM),
          pl.BlockSpec((2, D, D), lambda i: (0, 0, 0)),
          pspec(lambda i: (0, i, 0)),
          pspec(lambda i: (1, i, 0)),
          pspec(lambda i: (1, lax.rem(i, 5), 0)),
          dspec(lambda i: (0, i, 0)),
          dspec(lambda i: (1, i, 0)),
          dspec(lambda i: (1, lax.rem(i, 5), 0)),
      ],
      out_specs=pl.BlockSpec((blk, D), lambda i: (i, 0)),
      out_shape=jax.ShapeDtypeStruct((N_NODES, D), jnp.float32),
  )(a, v, partials, partials, partials, degs, degs, degs)


def kernel(embed_user, embed_item, V, a,
           edge_index_bought_by, edge_index_buys, edge_index_views):
  f32 = jnp.float32
  i32 = jnp.int32
  table = jnp.concatenate(
      [embed_user, embed_item, jnp.zeros((1, D), f32)], axis=0)

  half = E // 2
  bb_s, bb_d = edge_index_bought_by[0], edge_index_bought_by[1]
  by_s, by_d = edge_index_buys[0], edge_index_buys[1]
  vw_s, vw_d = edge_index_views[0], edge_index_views[1]
  src0 = jnp.concatenate([bb_s + N_USER, by_s[:half]])
  dst0 = jnp.concatenate([bb_d, by_d[:half] + N_USER])
  src1 = jnp.concatenate([vw_s, by_s[half:]])
  dst1 = jnp.concatenate([vw_d, by_d[half:] + N_USER])
  pad = E_PAD - E_CORE
  src_idx = jnp.concatenate(
      [jnp.stack([src0, src1]).astype(i32),
       jnp.full((NC, pad), N_NODES, i32)], axis=1).reshape(NC, NS, N_CHUNK, CHUNK)
  dst_idx = jnp.concatenate(
      [jnp.stack([dst0, dst1]).astype(i32),
       jnp.full((NC, pad), N_NODES, i32)], axis=1).reshape(NC, NS, N_CHUNK, CHUNK)

  zrows = jnp.zeros((ROWS_TILE, D), f32)
  zdeg = jnp.zeros((ROWS_TILE, DW), f32)
  ones_rows = jnp.ones((CHUNK, DW), f32)
  partials, degs = _sc_segment_sums(table, src_idx, dst_idx, zrows, zdeg,
                                    ones_rows)
  return _tc_combine(partials, degs, a, V)

# --- scband reference (transcript-rebuilt; emitter-appended) ---
"""Pipeline reference for scband-encoder-rel-graph-conv-hetero-25890062860623 (READ-ONLY COPY).

The authoritative reference and input builder live on the scoring server;
editing this copy changes nothing except your own understanding.
"""

import jax, jax.numpy as jnp
import numpy as np

N_USER = 5000
N_ITEM = 5000
D = 128
E = 100000
NB = 2  # num_bases
NR = 3  # num relations, sorted: ['bought-by', 'buys', 'views']


def setup_inputs(seed: int = 0) -> dict:
    key = jax.random.key(seed)
    ks = jax.random.split(key, 8)
    # graph structure: row0=src, row1=dst node indices within each type
    edge_index_bought_by = jax.random.randint(ks[0], (2, E), 0, 5000)  # item -> user
    edge_index_buys = jax.random.randint(ks[1], (2, E), 0, 5000)      # user -> item
    edge_index_views = jax.random.randint(ks[2], (2, E), 0, 5000)     # user -> item
    # MiniBatchRelGraphEmbed learnable node embeddings (one table per ntype)
    embed_user = jax.random.normal(ks[3], (N_USER, D), dtype=jnp.float32) * 0.05
    embed_item = jax.random.normal(ks[4], (N_ITEM, D), dtype=jnp.float32) * 0.05
    # basis decomposition weights: V[NB, D, D] bases, a[NR, NB] coefficients
    V = jax.random.normal(ks[5], (NB, D, D), dtype=jnp.float32) * (1.0 / np.sqrt(D))
    a = jax.random.normal(ks[6], (NR, NB), dtype=jnp.float32)
    return {
        'embed_user': embed_user,
        'embed_item': embed_item,
        'V': V,
        'a': a,
        'edge_index_bought_by': edge_index_bought_by,
        'edge_index_buys': edge_index_buys,
        'edge_index_views': edge_index_views,
    }


def _rel_conv(h_src, edge_index, W, n_dst):
    # GraphConv with norm='right': project, gather by src, scatter-add to dst, divide by in-degree
    src = edge_index[0]
    dst = edge_index[1]
    proj = h_src @ W  # [n_src, D] x [D, D]
    msg = jnp.take(proj, src, axis=0)  # gather per edge
    agg = jax.ops.segment_sum(msg, dst, num_segments=n_dst)
    deg = jax.ops.segment_sum(jnp.ones_like(dst, dtype=jnp.float32), dst, num_segments=n_dst)
    return agg / jnp.clip(deg, 1.0, None)[:, None]


def reference(embed_user, embed_item, V, a, edge_index_bought_by, edge_index_buys, edge_index_views):
    # embed_layer(g, full=True): return per-ntype learnable embeddings
    h_user = embed_user
    h_item = embed_item
    # RelGraphConvHetero layer (basis regularizer): W_r = sum_b a[r,b] * V[b]
    W = jnp.einsum('rb,bio->rio', a, V)  # [NR, D, D]
    # HeteroGraphConv: per-relation GraphConv, 'sum' aggregate across relations per dst ntype
    out_user = _rel_conv(h_item, edge_index_bought_by, W[0], N_USER)  # 'bought-by': item->user
    out_item = (_rel_conv(h_user, edge_index_buys, W[1], N_ITEM)      # 'buys': user->item
                + _rel_conv(h_user, edge_index_views, W[2], N_ITEM))  # 'views': user->item
    # activation=F.relu, self_loop=False, dropout=0
    out_user = jax.nn.relu(out_user)
    out_item = jax.nn.relu(out_item)
    # concatenate per-ntype outputs (user block then item block) into one array
    return jnp.concatenate([out_user, out_item], axis=0)

if __name__ == "__main__":
    import jax
    _d = setup_inputs()
    print(jax.jit(kernel)(*tuple(_d.values())))

</pallas_src>

<mosaic_0001>
#map = affine_map<(d0, d1) -> (0, 0)>
#map1 = affine_map<(d0, d1) -> (0, 0, 0, 0)>
#map2 = affine_map<(d0, d1) -> (0, 0, 0)>
module attributes {stable_mosaic.version = 14 : i64} {
  func.func @kern(%arg0: i32, %arg1: i32, %arg2: memref<10001x128xf32, #tpu.memory_space<hbm>>, %arg3: memref<2x16x198x48xi32, #tpu.memory_space<hbm>>, %arg4: memref<2x16x198x48xi32, #tpu.memory_space<hbm>>, %arg5: memref<626x128xf32, #tpu.memory_space<hbm>>, %arg6: memref<626x16xf32, #tpu.memory_space<hbm>>, %arg7: memref<48x16xf32, #tpu.memory_space<hbm>>, %arg8: memref<2x10016x128xf32, #tpu.memory_space<hbm>>, %arg9: memref<2x10016x16xf32, #tpu.memory_space<hbm>>, %arg10: memref<10016x128xf32, #tpu.memory_space<vmem_shared>>, %arg11: memref<10016x16xf32, #tpu.memory_space<vmem_shared>>, %arg12: memref<198x48xi32, #tpu.memory_space<vmem>>, %arg13: memref<198x48xi32, #tpu.memory_space<vmem>>, %arg14: memref<48x128xf32, #tpu.memory_space<vmem>>, %arg15: memref<48x128xf32, #tpu.memory_space<vmem>>, %arg16: memref<48x128xf32, #tpu.memory_space<vmem>>, %arg17: memref<48x16xf32, #tpu.memory_space<vmem>>, %arg18: memref<!tpu.dma_semaphore, #tpu.memory_space<semaphore_mem>>, %arg19: memref<!tpu.dma_semaphore, #tpu.memory_space<semaphore_mem>>, %arg20: memref<!tpu.dma_semaphore, #tpu.memory_space<semaphore_mem>>) attributes {dimension_semantics = [#tpu.dimension_semantics<core_parallel>, #tpu.dimension_semantics<subcore_parallel>], iteration_bounds = array<i64: 2, 16>, scalar_prefetch = 0 : i64, scratch_operands = 11 : i64, tpu.core_type = #tpu.core_type<sc_vector_subcore>, window_params = [{transform_indices = #map}, {transform_indices = #map1}, {transform_indices = #map1}, {transform_indices = #map}, {transform_indices = #map}, {transform_indices = #map}, {transform_indices = #map2}, {transform_indices = #map2}]} {
    %mul3A = arith.constant 626 : i32
    %mul3A_0 = arith.muli %arg1, %mul3A : i32
    "tpu.region"() ({
      %run_scoped3A = tpu.sem_alloc : memref<!tpu.dma_semaphore, #tpu.memory_space<semaphore_mem>>
      %dma_start3A_90 = arith.constant 0 : i32
      %dma_start3A_91 = tpu.memref_slice %arg10[%mul3A_0, %dma_start3A_90] : memref<10016x128xf32, #tpu.memory_space<vmem_shared>> -> memref<626x128xf32, #tpu.memory_space<vmem_shared>>
      tpu.enqueue_dma source(%arg5 : memref<626x128xf32, #tpu.memory_space<hbm>>) target(%dma_start3A_91 : memref<626x128xf32, #tpu.memory_space<vmem_shared>>) target_semaphore(%run_scoped3A : memref<!tpu.dma_semaphore, #tpu.memory_space<semaphore_mem>>)
      %dma_wait3A_92 = arith.constant 0 : i32
      %dma_wait3A_93 = tpu.memref_slice %arg10[%mul3A_0, %dma_wait3A_92] : memref<10016x128xf32, #tpu.memory_space<vmem_shared>> -> memref<626x128xf32, #tpu.memory_space<vmem_shared>>
      tpu.wait_dma2 semaphore(%run_scoped3A : memref<!tpu.dma_semaphore, #tpu.memory_space<semaphore_mem>>) src(%arg5 : memref<626x128xf32, #tpu.memory_space<hbm>>) dst(%dma_wait3A_93 : memref<626x128xf32, #tpu.memory_space<vmem_shared>>)
      tpu.yield
    }) : () -> ()
    %mul3A_1 = arith.constant 626 : i32
    %mul3A_2 = arith.muli %arg1, %mul3A_1 : i32
    "tpu.region"() ({
      %run_scoped3A = tpu.sem_alloc : memref<!tpu.dma_semaphore, #tpu.memory_space<semaphore_mem>>
      %dma_start3A_90 = arith.constant 0 : i32
      %dma_start3A_91 = tpu.memref_slice %arg11[%mul3A_2, %dma_start3A_90] : memref<10016x16xf32, #tpu.memory_space<vmem_shared>> -> memref<626x16xf32, #tpu.memory_space<vmem_shared>>
      tpu.enqueue_dma source(%arg6 : memref<626x16xf32, #tpu.memory_space<hbm>>) target(%dma_start3A_91 : memref<626x16xf32, #tpu.memory_space<vmem_shared>>) target_semaphore(%run_scoped3A : memref<!tpu.dma_semaphore, #tpu.memory_space<semaphore_mem>>)
      %dma_wait3A_92 = arith.constant 0 : i32
      %dma_wait3A_93 = tpu.memref_slice %arg11[%mul3A_2, %dma_wait3A_92] : memref<10016x16xf32, #tpu.memory_space<vmem_shared>> -> memref<626x16xf32, #tpu.memory_space<vmem_shared>>
      tpu.wait_dma2 semaphore(%run_scoped3A : memref<!tpu.dma_semaphore, #tpu.memory_space<semaphore_mem>>) src(%arg6 : memref<626x16xf32, #tpu.memory_space<hbm>>) dst(%dma_wait3A_93 : memref<626x16xf32, #tpu.memory_space<vmem_shared>>)
      tpu.yield
    }) : () -> ()
    "tpu.region"() ({
      %run_scoped3A = tpu.sem_alloc : memref<!tpu.dma_semaphore, #tpu.memory_space<semaphore_mem>>
      tpu.enqueue_dma source(%arg7 : memref<48x16xf32, #tpu.memory_space<hbm>>) target(%arg17 : memref<48x16xf32, #tpu.memory_space<vmem>>) target_semaphore(%run_scoped3A : memref<!tpu.dma_semaphore, #tpu.memory_space<semaphore_mem>>)
      tpu.wait_dma2 semaphore(%run_scoped3A : memref<!tpu.dma_semaphore, #tpu.memory_space<semaphore_mem>>) src(%arg7 : memref<48x16xf32, #tpu.memory_space<hbm>>) dst(%arg17 : memref<48x16xf32, #tpu.memory_space<vmem>>)
      tpu.yield
    }) : () -> ()
    "tpu.region"() ({
      %run_scoped3A = tpu.sem_alloc : memref<!tpu.dma_semaphore, #tpu.memory_space<semaphore_mem>>
      %dma_start3A_90 = arith.constant 0 : i32
      %dma_start3A_91 = arith.constant 0 : i32
      %dma_start3A_92 = tpu.memref_slice %arg3[%arg0, %arg1, %dma_start3A_90, %dma_start3A_91] : memref<2x16x198x48xi32, #tpu.memory_space<hbm>> -> memref<1x1x198x48xi32, #tpu.memory_space<hbm>>
      %dma_start3A_93 = tpu.memref_squeeze %dma_start3A_92 : memref<1x1x198x48xi32, #tpu.memory_space<hbm>> -> memref<198x48xi32, #tpu.memory_space<hbm>>
      %dma_start3A_94 = arith.constant 0 : i32
      %dma_start3A_95 = arith.constant 0 : i32
      %dma_start3A_96 = tpu.memref_slice %arg3[%arg0, %arg1, %dma_start3A_94, %dma_start3A_95] : memref<2x16x198x48xi32, #tpu.memory_space<hbm>> -> memref<1x1x198x48xi32, #tpu.memory_space<hbm>>
      %dma_start3A_97 = tpu.memref_squeeze %dma_start3A_96 : memref<1x1x198x48xi32, #tpu.memory_space<hbm>> -> memref<198x48xi32, #tpu.memory_space<hbm>>
      tpu.enqueue_dma source(%dma_start3A_97 : memref<198x48xi32, #tpu.memory_space<hbm>>) target(%arg12 : memref<198x48xi32, #tpu.memory_space<vmem>>) target_semaphore(%run_scoped3A : memref<!tpu.dma_semaphore, #tpu.memory_space<semaphore_mem>>)
      %dma_wait3A_98 = arith.constant 0 : i32
      %dma_wait3A_99 = arith.constant 0 : i32
      %dma_wait3A_100 = tpu.memref_slice %arg3[%arg0, %arg1, %dma_wait3A_98, %dma_wait3A_99] : memref<2x16x198x48xi32, #tpu.memory_space<hbm>> -> memref<1x1x198x48xi32, #tpu.memory_space<hbm>>
      %dma_wait3A_101 = tpu.memref_squeeze %dma_wait3A_100 : memref<1x1x198x48xi32, #tpu.memory_space<hbm>> -> memref<198x48xi32, #tpu.memory_space<hbm>>
      %dma_wait3A_102 = arith.constant 0 : i32
      %dma_wait3A_103 = arith.constant 0 : i32
      %dma_wait3A_104 = tpu.memref_slice %arg3[%arg0, %arg1, %dma_wait3A_102, %dma_wait3A_103] : memref<2x16x198x48xi32, #tpu.memory_space<hbm>> -> memref<1x1x198x48xi32, #tpu.memory_space<hbm>>
      %dma_wait3A_105 = tpu.memref_squeeze %dma_wait3A_104 : memref<1x1x198x48xi32, #tpu.memory_space<hbm>> -> memref<198x48xi32, #tpu.memory_space<hbm>>
      tpu.wait_dma2 semaphore(%run_scoped3A : memref<!tpu.dma_semaphore, #tpu.memory_space<semaphore_mem>>) src(%dma_wait3A_105 : memref<198x48xi32, #tpu.memory_space<hbm>>) dst(%arg12 : memref<198x48xi32, #tpu.memory_space<vmem>>)
      tpu.yield
    }) : () -> ()
    "tpu.region"() ({
      %run_scoped3A = tpu.sem_alloc : memref<!tpu.dma_semaphore, #tpu.memory_space<semaphore_mem>>
      %dma_start3A_90 = arith.constant 0 : i32
      %dma_start3A_91 = arith.constant 0 : i32
      %dma_start3A_92 = tpu.memref_slice %arg4[%arg0, %arg1, %dma_start3A_90, %dma_start3A_91] : memref<2x16x198x48xi32, #tpu.memory_space<hbm>> -> memref<1x1x198x48xi32, #tpu.memory_space<hbm>>
      %dma_start3A_93 = tpu.memref_squeeze %dma_start3A_92 : memref<1x1x198x48xi32, #tpu.memory_space<hbm>> -> memref<198x48xi32, #tpu.memory_space<hbm>>
      %dma_start3A_94 = arith.constant 0 : i32
      %dma_start3A_95 = arith.constant 0 : i32
      %dma_start3A_96 = tpu.memref_slice %arg4[%arg0, %arg1, %dma_start3A_94, %dma_start3A_95] : memref<2x16x198x48xi32, #tpu.memory_space<hbm>> -> memref<1x1x198x48xi32, #tpu.memory_space<hbm>>
      %dma_start3A_97 = tpu.memref_squeeze %dma_start3A_96 : memref<1x1x198x48xi32, #tpu.memory_space<hbm>> -> memref<198x48xi32, #tpu.memory_space<hbm>>
      tpu.enqueue_dma source(%dma_start3A_97 : memref<198x48xi32, #tpu.memory_space<hbm>>) target(%arg13 : memref<198x48xi32, #tpu.memory_space<vmem>>) target_semaphore(%run_scoped3A : memref<!tpu.dma_semaphore, #tpu.memory_space<semaphore_mem>>)
      %dma_wait3A_98 = arith.constant 0 : i32
      %dma_wait3A_99 = arith.constant 0 : i32
      %dma_wait3A_100 = tpu.memref_slice %arg4[%arg0, %arg1, %dma_wait3A_98, %dma_wait3A_99] : memref<2x16x198x48xi32, #tpu.memory_space<hbm>> -> memref<1x1x198x48xi32, #tpu.memory_space<hbm>>
      %dma_wait3A_101 = tpu.memref_squeeze %dma_wait3A_100 : memref<1x1x198x48xi32, #tpu.memory_space<hbm>> -> memref<198x48xi32, #tpu.memory_space<hbm>>
      %dma_wait3A_102 = arith.constant 0 : i32
      %dma_wait3A_103 = arith.constant 0 : i32
      %dma_wait3A_104 = tpu.memref_slice %arg4[%arg0, %arg1, %dma_wait3A_102, %dma_wait3A_103] : memref<2x16x198x48xi32, #tpu.memory_space<hbm>> -> memref<1x1x198x48xi32, #tpu.memory_space<hbm>>
      %dma_wait3A_105 = tpu.memref_squeeze %dma_wait3A_104 : memref<1x1x198x48xi32, #tpu.memory_space<hbm>> -> memref<198x48xi32, #tpu.memory_space<hbm>>
      tpu.wait_dma2 semaphore(%run_scoped3A : memref<!tpu.dma_semaphore, #tpu.memory_space<semaphore_mem>>) src(%dma_wait3A_105 : memref<198x48xi32, #tpu.memory_space<hbm>>) dst(%arg13 : memref<198x48xi32, #tpu.memory_space<vmem>>)
      tpu.yield
    }) : () -> ()
    %barrier3A = arith.constant 0 : index
    tpu.barrier barrier_id(%barrier3A)
    %dma_start3A = arith.constant 0 : i32
    %dma_start3A_3 = arith.constant 0 : i32
    %dma_start3A_4 = tpu.memref_slice %arg12[%dma_start3A, %dma_start3A_3] : memref<198x48xi32, #tpu.memory_space<vmem>> -> memref<1x48xi32, #tpu.memory_space<vmem>>
    %dma_start3A_5 = tpu.memref_squeeze %dma_start3A_4 : memref<1x48xi32, #tpu.memory_space<vmem>> -> memref<48xi32, #tpu.memory_space<vmem>>
    %dma_start3A_6 = arith.constant 0 : i32
    %dma_start3A_7 = arith.constant 0 : i32
    %dma_start3A_8 = tpu.memref_slice %arg2[%dma_start3A_6, %dma_start3A_7] : memref<10001x128xf32, #tpu.memory_space<hbm>> -> memref<10001x128xf32, #tpu.memory_space<hbm>>
    tpu.enqueue_indirect_dma source(%dma_start3A_8 : memref<10001x128xf32, #tpu.memory_space<hbm>>) target(%arg14 : memref<48x128xf32, #tpu.memory_space<vmem>>) offsets(%dma_start3A_5 : memref<48xi32, #tpu.memory_space<vmem>>) semaphore(%arg18 : memref<!tpu.dma_semaphore, #tpu.memory_space<semaphore_mem>>)
    %dma_start3A_9 = arith.constant 1 : i32
    %dma_start3A_10 = arith.constant 0 : i32
    %dma_start3A_11 = tpu.memref_slice %arg12[%dma_start3A_9, %dma_start3A_10] : memref<198x48xi32, #tpu.memory_space<vmem>> -> memref<1x48xi32, #tpu.memory_space<vmem>>
    %dma_start3A_12 = tpu.memref_squeeze %dma_start3A_11 : memref<1x48xi32, #tpu.memory_space<vmem>> -> memref<48xi32, #tpu.memory_space<vmem>>
    %dma_start3A_13 = arith.constant 0 : i32
    %dma_start3A_14 = arith.constant 0 : i32
    %dma_start3A_15 = tpu.memref_slice %arg2[%dma_start3A_13, %dma_start3A_14] : memref<10001x128xf32, #tpu.memory_space<hbm>> -> memref<10001x128xf32, #tpu.memory_space<hbm>>
    tpu.enqueue_indirect_dma source(%dma_start3A_15 : memref<10001x128xf32, #tpu.memory_space<hbm>>) target(%arg15 : memref<48x128xf32, #tpu.memory_space<vmem>>) offsets(%dma_start3A_12 : memref<48xi32, #tpu.memory_space<vmem>>) semaphore(%arg18 : memref<!tpu.dma_semaphore, #tpu.memory_space<semaphore_mem>>)
    %scan3A = arith.constant 0 : i32
    %scan3A_16 = arith.constant 0 : i32
    %scan3A_17 = arith.constant 66 : i32
    %scan3A_18 = arith.addi %scan3A_16, %scan3A_17 : i32
    %scan3A_19 = arith.constant 1 : i32
    scf.for %scan3A_90 = %scan3A_16 to %scan3A_18 step %scan3A_19  : i32 {
      %mul3A_91 = arith.constant 3 : i32
      %mul3A_92 = arith.muli %mul3A_91, %scan3A_90 : i32
      %add3A = arith.constant 0 : i32
      %add3A_93 = arith.addi %mul3A_92, %add3A : i32
      %dma_wait3A_94 = arith.constant 0 : i32
      %dma_wait3A_95 = arith.constant 0 : i32
      %dma_wait3A_96 = tpu.memref_slice %arg12[%dma_wait3A_94, %dma_wait3A_95] : memref<198x48xi32, #tpu.memory_space<vmem>> -> memref<1x48xi32, #tpu.memory_space<vmem>>
      %dma_wait3A_97 = tpu.memref_squeeze %dma_wait3A_96 : memref<1x48xi32, #tpu.memory_space<vmem>> -> memref<48xi32, #tpu.memory_space<vmem>>
      %dma_wait3A_98 = arith.constant 0 : i32
      %dma_wait3A_99 = arith.constant 0 : i32
      %dma_wait3A_100 = tpu.memref_slice %arg2[%dma_wait3A_98, %dma_wait3A_99] : memref<10001x128xf32, #tpu.memory_space<hbm>> -> memref<10001x128xf32, #tpu.memory_space<hbm>>
      tpu.wait_indirect_dma semaphore(%arg18 : memref<!tpu.dma_semaphore, #tpu.memory_space<semaphore_mem>>) src(%dma_wait3A_100 : memref<10001x128xf32, #tpu.memory_space<hbm>>) dst(%arg14 : memref<48x128xf32, #tpu.memory_space<vmem>>)
      %dma_start3A_101 = arith.constant 0 : i32
      %dma_start3A_102 = tpu.memref_slice %arg13[%add3A_93, %dma_start3A_101] : memref<198x48xi32, #tpu.memory_space<vmem>> -> memref<1x48xi32, #tpu.memory_space<vmem>>
      %dma_start3A_103 = tpu.memref_squeeze %dma_start3A_102 : memref<1x48xi32, #tpu.memory_space<vmem>> -> memref<48xi32, #tpu.memory_space<vmem>>
      %dma_start3A_104 = arith.constant 0 : i32
      %dma_start3A_105 = arith.constant 0 : i32
      %dma_start3A_106 = tpu.memref_slice %arg10[%dma_start3A_104, %dma_start3A_105] : memref<10016x128xf32, #tpu.memory_space<vmem_shared>> -> memref<10016x128xf32, #tpu.memory_space<vmem_shared>>
      tpu.enqueue_indirect_dma source(%arg14 : memref<48x128xf32, #tpu.memory_space<vmem>>) target(%dma_start3A_106 : memref<10016x128xf32, #tpu.memory_space<vmem_shared>>) offsets(%dma_start3A_103 : memref<48xi32, #tpu.memory_space<vmem>>) semaphore(%arg19 : memref<!tpu.dma_semaphore, #tpu.memory_space<semaphore_mem>>) {add = true}
      %ge3A = arith.constant 1 : i32
      %ge3A_107 = arith.cmpi sge, %add3A_93, %ge3A : i32
      %convert_element_type3A = arith.extui %ge3A_107 : i1 to i32
      %cond3A = arith.constant 0 : i32
      %cond3A_108 = arith.cmpi ne, %convert_element_type3A, %cond3A : i32
      scf.if %cond3A_108 {
        %dma_wait3A_173 = arith.constant 0 : i32
        %dma_wait3A_174 = arith.constant 0 : i32
        %dma_wait3A_175 = tpu.memref_slice %arg13[%dma_wait3A_173, %dma_wait3A_174] : memref<198x48xi32, #tpu.memory_space<vmem>> -> memref<1x48xi32, #tpu.memory_space<vmem>>
        %dma_wait3A_176 = tpu.memref_squeeze %dma_wait3A_175 : memref<1x48xi32, #tpu.memory_space<vmem>> -> memref<48xi32, #tpu.memory_space<vmem>>
        %dma_wait3A_177 = arith.constant 0 : i32
        %dma_wait3A_178 = arith.constant 0 : i32
        %dma_wait3A_179 = tpu.memref_slice %arg10[%dma_wait3A_177, %dma_wait3A_178] : memref<10016x128xf32, #tpu.memory_space<vmem_shared>> -> memref<10016x128xf32, #tpu.memory_space<vmem_shared>>
        tpu.wait_indirect_dma semaphore(%arg19 : memref<!tpu.dma_semaphore, #tpu.memory_space<semaphore_mem>>) src(%arg16 : memref<48x128xf32, #tpu.memory_space<vmem>>) dst(%dma_wait3A_179 : memref<10016x128xf32, #tpu.memory_space<vmem_shared>>)
      } else {
      }
      %add3A_109 = arith.constant 2 : i32
      %add3A_110 = arith.addi %add3A_93, %add3A_109 : i32
      %lt3A = arith.constant 198 : i32
      %lt3A_111 = arith.cmpi slt, %add3A_110, %lt3A : i32
      %convert_element_type3A_112 = arith.extui %lt3A_111 : i1 to i32
      %cond3A_113 = arith.constant 0 : i32
      %cond3A_114 = arith.cmpi ne, %convert_element_type3A_112, %cond3A_113 : i32
      scf.if %cond3A_114 {
        %add3A_173 = arith.constant 2 : i32
        %add3A_174 = arith.addi %add3A_93, %add3A_173 : i32
        %dma_start3A_175 = arith.constant 0 : i32
        %dma_start3A_176 = tpu.memref_slice %arg12[%add3A_174, %dma_start3A_175] : memref<198x48xi32, #tpu.memory_space<vmem>> -> memref<1x48xi32, #tpu.memory_space<vmem>>
        %dma_start3A_177 = tpu.memref_squeeze %dma_start3A_176 : memref<1x48xi32, #tpu.memory_space<vmem>> -> memref<48xi32, #tpu.memory_space<vmem>>
        %dma_start3A_178 = arith.constant 0 : i32
        %dma_start3A_179 = arith.constant 0 : i32
        %dma_start3A_180 = tpu.memref_slice %arg2[%dma_start3A_178, %dma_start3A_179] : memref<10001x128xf32, #tpu.memory_space<hbm>> -> memref<10001x128xf32, #tpu.memory_space<hbm>>
        tpu.enqueue_indirect_dma source(%dma_start3A_180 : memref<10001x128xf32, #tpu.memory_space<hbm>>) target(%arg16 : memref<48x128xf32, #tpu.memory_space<vmem>>) offsets(%dma_start3A_177 : memref<48xi32, #tpu.memory_space<vmem>>) semaphore(%arg18 : memref<!tpu.dma_semaphore, #tpu.memory_space<semaphore_mem>>)
      } else {
      }
      %mul3A_115 = arith.constant 3 : i32
      %mul3A_116 = arith.muli %mul3A_115, %scan3A_90 : i32
      %add3A_117 = arith.constant 1 : i32
      %add3A_118 = arith.addi %mul3A_116, %add3A_117 : i32
      %dma_wait3A_119 = arith.constant 0 : i32
      %dma_wait3A_120 = arith.constant 0 : i32
      %dma_wait3A_121 = tpu.memref_slice %arg12[%dma_wait3A_119, %dma_wait3A_120] : memref<198x48xi32, #tpu.memory_space<vmem>> -> memref<1x48xi32, #tpu.memory_space<vmem>>
      %dma_wait3A_122 = tpu.memref_squeeze %dma_wait3A_121 : memref<1x48xi32, #tpu.memory_space<vmem>> -> memref<48xi32, #tpu.memory_space<vmem>>
      %dma_wait3A_123 = arith.constant 0 : i32
      %dma_wait3A_124 = arith.constant 0 : i32
      %dma_wait3A_125 = tpu.memref_slice %arg2[%dma_wait3A_123, %dma_wait3A_124] : memref<10001x128xf32, #tpu.memory_space<hbm>> -> memref<10001x128xf32, #tpu.memory_space<hbm>>
      tpu.wait_indirect_dma semaphore(%arg18 : memref<!tpu.dma_semaphore, #tpu.memory_space<semaphore_mem>>) src(%dma_wait3A_125 : memref<10001x128xf32, #tpu.memory_space<hbm>>) dst(%arg15 : memref<48x128xf32, #tpu.memory_space<vmem>>)
      %dma_start3A_126 = arith.constant 0 : i32
      %dma_start3A_127 = tpu.memref_slice %arg13[%add3A_118, %dma_start3A_126] : memref<198x48xi32, #tpu.memory_space<vmem>> -> memref<1x48xi32, #tpu.memory_space<vmem>>
      %dma_start3A_128 = tpu.memref_squeeze %dma_start3A_127 : memref<1x48xi32, #tpu.memory_space<vmem>> -> memref<48xi32, #tpu.memory_space<vmem>>
      %dma_start3A_129 = arith.constant 0 : i32
      %dma_start3A_130 = arith.constant 0 : i32
      %dma_start3A_131 = tpu.memref_slice %arg10[%dma_start3A_129, %dma_start3A_130] : memref<10016x128xf32, #tpu.memory_space<vmem_shared>> -> memref<10016x128xf32, #tpu.memory_space<vmem_shared>>
      tpu.enqueue_indirect_dma source(%arg15 : memref<48x128xf32, #tpu.memory_space<vmem>>) target(%dma_start3A_131 : memref<10016x128xf32, #tpu.memory_space<vmem_shared>>) offsets(%dma_start3A_128 : memref<48xi32, #tpu.memory_space<vmem>>) semaphore(%arg19 : memref<!tpu.dma_semaphore, #tpu.memory_space<semaphore_mem>>) {add = true}
      %ge3A_132 = arith.constant 1 : i32
      %ge3A_133 = arith.cmpi sge, %add3A_118, %ge3A_132 : i32
      %convert_element_type3A_134 = arith.extui %ge3A_133 : i1 to i32
      %cond3A_135 = arith.constant 0 : i32
      %cond3A_136 = arith.cmpi ne, %convert_element_type3A_134, %cond3A_135 : i32
      scf.if %cond3A_136 {
        %dma_wait3A_173 = arith.constant 0 : i32
        %dma_wait3A_174 = arith.constant 0 : i32
        %dma_wait3A_175 = tpu.memref_slice %arg13[%dma_wait3A_173, %dma_wait3A_174] : memref<198x48xi32, #tpu.memory_space<vmem>> -> memref<1x48xi32, #tpu.memory_space<vmem>>
        %dma_wait3A_176 = tpu.memref_squeeze %dma_wait3A_175 : memref<1x48xi32, #tpu.memory_space<vmem>> -> memref<48xi32, #tpu.memory_space<vmem>>
        %dma_wait3A_177 = arith.constant 0 : i32
        %dma_wait3A_178 = arith.constant 0 : i32
        %dma_wait3A_179 = tpu.memref_slice %arg10[%dma_wait3A_177, %dma_wait3A_178] : memref<10016x128xf32, #tpu.memory_space<vmem_shared>> -> memref<10016x128xf32, #tpu.memory_space<vmem_shared>>
        tpu.wait_indirect_dma semaphore(%arg19 : memref<!tpu.dma_semaphore, #tpu.memory_space<semaphore_mem>>) src(%arg14 : memref<48x128xf32, #tpu.memory_space<vmem>>) dst(%dma_wait3A_179 : memref<10016x128xf32, #tpu.memory_space<vmem_shared>>)
      } else {
      }
      %add3A_137 = arith.constant 2 : i32
      %add3A_138 = arith.addi %add3A_118, %add3A_137 : i32
      %lt3A_139 = arith.constant 198 : i32
      %lt3A_140 = arith.cmpi slt, %add3A_138, %lt3A_139 : i32
      %convert_element_type3A_141 = arith.extui %lt3A_140 : i1 to i32
      %cond3A_142 = arith.constant 0 : i32
      %cond3A_143 = arith.cmpi ne, %convert_element_type3A_141, %cond3A_142 : i32
      scf.if %cond3A_143 {
        %add3A_173 = arith.constant 2 : i32
        %add3A_174 = arith.addi %add3A_118, %add3A_173 : i32
        %dma_start3A_175 = arith.constant 0 : i32
        %dma_start3A_176 = tpu.memref_slice %arg12[%add3A_174, %dma_start3A_175] : memref<198x48xi32, #tpu.memory_space<vmem>> -> memref<1x48xi32, #tpu.memory_space<vmem>>
        %dma_start3A_177 = tpu.memref_squeeze %dma_start3A_176 : memref<1x48xi32, #tpu.memory_space<vmem>> -> memref<48xi32, #tpu.memory_space<vmem>>
        %dma_start3A_178 = arith.constant 0 : i32
        %dma_start3A_179 = arith.constant 0 : i32
        %dma_start3A_180 = tpu.memref_slice %arg2[%dma_start3A_178, %dma_start3A_179] : memref<10001x128xf32, #tpu.memory_space<hbm>> -> memref<10001x128xf32, #tpu.memory_space<hbm>>
        tpu.enqueue_indirect_dma source(%dma_start3A_180 : memref<10001x128xf32, #tpu.memory_space<hbm>>) target(%arg14 : memref<48x128xf32, #tpu.memory_space<vmem>>) offsets(%dma_start3A_177 : memref<48xi32, #tpu.memory_space<vmem>>) semaphore(%arg18 : memref<!tpu.dma_semaphore, #tpu.memory_space<semaphore_mem>>)
      } else {
      }
      %mul3A_144 = arith.constant 3 : i32
      %mul3A_145 = arith.muli %mul3A_144, %scan3A_90 : i32
      %add3A_146 = arith.constant 2 : i32
      %add3A_147 = arith.addi %mul3A_145, %add3A_146 : i32
      %dma_wait3A_148 = arith.constant 0 : i32
      %dma_wait3A_149 = arith.constant 0 : i32
      %dma_wait3A_150 = tpu.memref_slice %arg12[%dma_wait3A_148, %dma_wait3A_149] : memref<198x48xi32, #tpu.memory_space<vmem>> -> memref<1x48xi32, #tpu.memory_space<vmem>>
      %dma_wait3A_151 = tpu.memref_squeeze %dma_wait3A_150 : memref<1x48xi32, #tpu.memory_space<vmem>> -> memref<48xi32, #tpu.memory_space<vmem>>
      %dma_wait3A_152 = arith.constant 0 : i32
      %dma_wait3A_153 = arith.constant 0 : i32
      %dma_wait3A_154 = tpu.memref_slice %arg2[%dma_wait3A_152, %dma_wait3A_153] : memref<10001x128xf32, #tpu.memory_space<hbm>> -> memref<10001x128xf32, #tpu.memory_space<hbm>>
      tpu.wait_indirect_dma semaphore(%arg18 : memref<!tpu.dma_semaphore, #tpu.memory_space<semaphore_mem>>) src(%dma_wait3A_154 : memref<10001x128xf32, #tpu.memory_space<hbm>>) dst(%arg16 : memref<48x128xf32, #tpu.memory_space<vmem>>)
      %dma_start3A_155 = arith.constant 0 : i32
      %dma_start3A_156 = tpu.memref_slice %arg13[%add3A_147, %dma_start3A_155] : memref<198x48xi32, #tpu.memory_space<vmem>> -> memref<1x48xi32, #tpu.memory_space<vmem>>
      %dma_start3A_157 = tpu.memref_squeeze %dma_start3A_156 : memref<1x48xi32, #tpu.memory_space<vmem>> -> memref<48xi32, #tpu.memory_space<vmem>>
      %dma_start3A_158 = arith.constant 0 : i32
      %dma_start3A_159 = arith.constant 0 : i32
      %dma_start3A_160 = tpu.memref_slice %arg10[%dma_start3A_158, %dma_start3A_159] : memref<10016x128xf32, #tpu.memory_space<vmem_shared>> -> memref<10016x128xf32, #tpu.memory_space<vmem_shared>>
      tpu.enqueue_indirect_dma source(%arg16 : memref<48x128xf32, #tpu.memory_space<vmem>>) target(%dma_start3A_160 : memref<10016x128xf32, #tpu.memory_space<vmem_shared>>) offsets(%dma_start3A_157 : memref<48xi32, #tpu.memory_space<vmem>>) semaphore(%arg19 : memref<!tpu.dma_semaphore, #tpu.memory_space<semaphore_mem>>) {add = true}
      %ge3A_161 = arith.constant 1 : i32
      %ge3A_162 = arith.cmpi sge, %add3A_147, %ge3A_161 : i32
      %convert_element_type3A_163 = arith.extui %ge3A_162 : i1 to i32
      %cond3A_164 = arith.constant 0 : i32
      %cond3A_165 = arith.cmpi ne, %convert_element_type3A_163, %cond3A_164 : i32
      scf.if %cond3A_165 {
        %dma_wait3A_173 = arith.constant 0 : i32
        %dma_wait3A_174 = arith.constant 0 : i32
        %dma_wait3A_175 = tpu.memref_slice %arg13[%dma_wait3A_173, %dma_wait3A_174] : memref<198x48xi32, #tpu.memory_space<vmem>> -> memref<1x48xi32, #tpu.memory_space<vmem>>
        %dma_wait3A_176 = tpu.memref_squeeze %dma_wait3A_175 : memref<1x48xi32, #tpu.memory_space<vmem>> -> memref<48xi32, #tpu.memory_space<vmem>>
        %dma_wait3A_177 = arith.constant 0 : i32
        %dma_wait3A_178 = arith.constant 0 : i32
        %dma_wait3A_179 = tpu.memref_slice %arg10[%dma_wait3A_177, %dma_wait3A_178] : memref<10016x128xf32, #tpu.memory_space<vmem_shared>> -> memref<10016x128xf32, #tpu.memory_space<vmem_shared>>
        tpu.wait_indirect_dma semaphore(%arg19 : memref<!tpu.dma_semaphore, #tpu.memory_space<semaphore_mem>>) src(%arg15 : memref<48x128xf32, #tpu.memory_space<vmem>>) dst(%dma_wait3A_179 : memref<10016x128xf32, #tpu.memory_space<vmem_shared>>)
      } else {
      }
      %add3A_166 = arith.constant 2 : i32
      %add3A_167 = arith.addi %add3A_147, %add3A_166 : i32
      %lt3A_168 = arith.constant 198 : i32
      %lt3A_169 = arith.cmpi slt, %add3A_167, %lt3A_168 : i32
      %convert_element_type3A_170 = arith.extui %lt3A_169 : i1 to i32
      %cond3A_171 = arith.constant 0 : i32
      %cond3A_172 = arith.cmpi ne, %convert_element_type3A_170, %cond3A_171 : i32
      scf.if %cond3A_172 {
        %add3A_173 = arith.constant 2 : i32
        %add3A_174 = arith.addi %add3A_147, %add3A_173 : i32
        %dma_start3A_175 = arith.constant 0 : i32
        %dma_start3A_176 = tpu.memref_slice %arg12[%add3A_174, %dma_start3A_175] : memref<198x48xi32, #tpu.memory_space<vmem>> -> memref<1x48xi32, #tpu.memory_space<vmem>>
        %dma_start3A_177 = tpu.memref_squeeze %dma_start3A_176 : memref<1x48xi32, #tpu.memory_space<vmem>> -> memref<48xi32, #tpu.memory_space<vmem>>
        %dma_start3A_178 = arith.constant 0 : i32
        %dma_start3A_179 = arith.constant 0 : i32
        %dma_start3A_180 = tpu.memref_slice %arg2[%dma_start3A_178, %dma_start3A_179] : memref<10001x128xf32, #tpu.memory_space<hbm>> -> memref<10001x128xf32, #tpu.memory_space<hbm>>
        tpu.enqueue_indirect_dma source(%dma_start3A_180 : memref<10001x128xf32, #tpu.memory_space<hbm>>) target(%arg15 : memref<48x128xf32, #tpu.memory_space<vmem>>) offsets(%dma_start3A_177 : memref<48xi32, #tpu.memory_space<vmem>>) semaphore(%arg18 : memref<!tpu.dma_semaphore, #tpu.memory_space<semaphore_mem>>)
      } else {
      }
    }
    %scan3A_20 = arith.constant 66 : i32
    %dma_wait3A = arith.constant 0 : i32
    %dma_wait3A_21 = arith.constant 0 : i32
    %dma_wait3A_22 = tpu.memref_slice %arg13[%dma_wait3A, %dma_wait3A_21] : memref<198x48xi32, #tpu.memory_space<vmem>> -> memref<1x48xi32, #tpu.memory_space<vmem>>
    %dma_wait3A_23 = tpu.memref_squeeze %dma_wait3A_22 : memref<1x48xi32, #tpu.memory_space<vmem>> -> memref<48xi32, #tpu.memory_space<vmem>>
    %dma_wait3A_24 = arith.constant 0 : i32
    %dma_wait3A_25 = arith.constant 0 : i32
    %dma_wait3A_26 = tpu.memref_slice %arg10[%dma_wait3A_24, %dma_wait3A_25] : memref<10016x128xf32, #tpu.memory_space<vmem_shared>> -> memref<10016x128xf32, #tpu.memory_space<vmem_shared>>
    tpu.wait_indirect_dma semaphore(%arg19 : memref<!tpu.dma_semaphore, #tpu.memory_space<semaphore_mem>>) src(%arg14 : memref<48x128xf32, #tpu.memory_space<vmem>>) dst(%dma_wait3A_26 : memref<10016x128xf32, #tpu.memory_space<vmem_shared>>)
    %scan3A_27 = arith.constant 0 : i32
    %scan3A_28 = arith.constant 0 : i32
    %scan3A_29 = arith.constant 198 : i32
    %scan3A_30 = arith.addi %scan3A_28, %scan3A_29 : i32
    %scan3A_31 = arith.constant 1 : i32
    scf.for %scan3A_90 = %scan3A_28 to %scan3A_30 step %scan3A_31  : i32 {
      %dma_start3A_91 = arith.constant 0 : i32
      %dma_start3A_92 = tpu.memref_slice %arg13[%scan3A_90, %dma_start3A_91] : memref<198x48xi32, #tpu.memory_space<vmem>> -> memref<1x48xi32, #tpu.memory_space<vmem>>
      %dma_start3A_93 = tpu.memref_squeeze %dma_start3A_92 : memref<1x48xi32, #tpu.memory_space<vmem>> -> memref<48xi32, #tpu.memory_space<vmem>>
      %dma_start3A_94 = arith.constant 0 : i32
      %dma_start3A_95 = arith.constant 0 : i32
      %dma_start3A_96 = tpu.memref_slice %arg11[%dma_start3A_94, %dma_start3A_95] : memref<10016x16xf32, #tpu.memory_space<vmem_shared>> -> memref<10016x16xf32, #tpu.memory_space<vmem_shared>>
      tpu.enqueue_indirect_dma source(%arg17 : memref<48x16xf32, #tpu.memory_space<vmem>>) target(%dma_start3A_96 : memref<10016x16xf32, #tpu.memory_space<vmem_shared>>) offsets(%dma_start3A_93 : memref<48xi32, #tpu.memory_space<vmem>>) semaphore(%arg20 : memref<!tpu.dma_semaphore, #tpu.memory_space<semaphore_mem>>) {add = true}
      %ge3A = arith.constant 8 : i32
      %ge3A_97 = arith.cmpi sge, %scan3A_90, %ge3A : i32
      %convert_element_type3A = arith.extui %ge3A_97 : i1 to i32
      %cond3A = arith.constant 0 : i32
      %cond3A_98 = arith.cmpi ne, %convert_element_type3A, %cond3A : i32
      scf.if %cond3A_98 {
        %dma_wait3A_99 = arith.constant 0 : i32
        %dma_wait3A_100 = arith.constant 0 : i32
        %dma_wait3A_101 = tpu.memref_slice %arg6[%dma_wait3A_99, %dma_wait3A_100] : memref<626x16xf32, #tpu.memory_space<hbm>> -> memref<48x16xf32, #tpu.memory_space<hbm>>
        %dma_wait3A_102 = arith.constant 0 : i32
        %dma_wait3A_103 = arith.constant 0 : i32
        %dma_wait3A_104 = tpu.memref_slice %arg6[%dma_wait3A_102, %dma_wait3A_103] : memref<626x16xf32, #tpu.memory_space<hbm>> -> memref<48x16xf32, #tpu.memory_space<hbm>>
        tpu.wait_dma2 semaphore(%arg20 : memref<!tpu.dma_semaphore, #tpu.memory_space<semaphore_mem>>) src(%dma_wait3A_104 : memref<48x16xf32, #tpu.memory_space<hbm>>) dst(%arg17 : memref<48x16xf32, #tpu.memory_space<vmem>>)
      } else {
      }
    }
    %scan3A_32 = arith.constant 198 : i32
    %dma_wait3A_33 = arith.constant 0 : i32
    %dma_wait3A_34 = arith.constant 0 : i32
    %dma_wait3A_35 = tpu.memref_slice %arg6[%dma_wait3A_33, %dma_wait3A_34] : memref<626x16xf32, #tpu.memory_space<hbm>> -> memref<48x16xf32, #tpu.memory_space<hbm>>
    %dma_wait3A_36 = arith.constant 0 : i32
    %dma_wait3A_37 = arith.constant 0 : i32
    %dma_wait3A_38 = tpu.memref_slice %arg6[%dma_wait3A_36, %dma_wait3A_37] : memref<626x16xf32, #tpu.memory_space<hbm>> -> memref<48x16xf32, #tpu.memory_space<hbm>>
    tpu.wait_dma2 semaphore(%arg20 : memref<!tpu.dma_semaphore, #tpu.memory_space<semaphore_mem>>) src(%dma_wait3A_38 : memref<48x16xf32, #tpu.memory_space<hbm>>) dst(%arg17 : memref<48x16xf32, #tpu.memory_space<vmem>>)
    %dma_wait3A_39 = arith.constant 0 : i32
    %dma_wait3A_40 = arith.constant 0 : i32
    %dma_wait3A_41 = tpu.memref_slice %arg6[%dma_wait3A_39, %dma_wait3A_40] : memref<626x16xf32, #tpu.memory_space<hbm>> -> memref<48x16xf32, #tpu.memory_space<hbm>>
    %dma_wait3A_42 = arith.constant 0 : i32
    %dma_wait3A_43 = arith.constant 0 : i32
    %dma_wait3A_44 = tpu.memref_slice %arg6[%dma_wait3A_42, %dma_wait3A_43] : memref<626x16xf32, #tpu.memory_space<hbm>> -> memref<48x16xf32, #tpu.memory_space<hbm>>
    tpu.wait_dma2 semaphore(%arg20 : memref<!tpu.dma_semaphore, #tpu.memory_space<semaphore_mem>>) src(%dma_wait3A_44 : memref<48x16xf32, #tpu.memory_space<hbm>>) dst(%arg17 : memref<48x16xf32, #tpu.memory_space<vmem>>)
    %dma_wait3A_45 = arith.constant 0 : i32
    %dma_wait3A_46 = arith.constant 0 : i32
    %dma_wait3A_47 = tpu.memref_slice %arg6[%dma_wait3A_45, %dma_wait3A_46] : memref<626x16xf32, #tpu.memory_space<hbm>> -> memref<48x16xf32, #tpu.memory_space<hbm>>
    %dma_wait3A_48 = arith.constant 0 : i32
    %dma_wait3A_49 = arith.constant 0 : i32
    %dma_wait3A_50 = tpu.memref_slice %arg6[%dma_wait3A_48, %dma_wait3A_49] : memref<626x16xf32, #tpu.memory_space<hbm>> -> memref<48x16xf32, #tpu.memory_space<hbm>>
    tpu.wait_dma2 semaphore(%arg20 : memref<!tpu.dma_semaphore, #tpu.memory_space<semaphore_mem>>) src(%dma_wait3A_50 : memref<48x16xf32, #tpu.memory_space<hbm>>) dst(%arg17 : memref<48x16xf32, #tpu.memory_space<vmem>>)
    %dma_wait3A_51 = arith.constant 0 : i32
    %dma_wait3A_52 = arith.constant 0 : i32
    %dma_wait3A_53 = tpu.memref_slice %arg6[%dma_wait3A_51, %dma_wait3A_52] : memref<626x16xf32, #tpu.memory_space<hbm>> -> memref<48x16xf32, #tpu.memory_space<hbm>>
    %dma_wait3A_54 = arith.constant 0 : i32
    %dma_wait3A_55 = arith.constant 0 : i32
    %dma_wait3A_56 = tpu.memref_slice %arg6[%dma_wait3A_54, %dma_wait3A_55] : memref<626x16xf32, #tpu.memory_space<hbm>> -> memref<48x16xf32, #tpu.memory_space<hbm>>
    tpu.wait_dma2 semaphore(%arg20 : memref<!tpu.dma_semaphore, #tpu.memory_space<semaphore_mem>>) src(%dma_wait3A_56 : memref<48x16xf32, #tpu.memory_space<hbm>>) dst(%arg17 : memref<48x16xf32, #tpu.memory_space<vmem>>)
    %dma_wait3A_57 = arith.constant 0 : i32
    %dma_wait3A_58 = arith.constant 0 : i32
    %dma_wait3A_59 = tpu.memref_slice %arg6[%dma_wait3A_57, %dma_wait3A_58] : memref<626x16xf32, #tpu.memory_space<hbm>> -> memref<48x16xf32, #tpu.memory_space<hbm>>
    %dma_wait3A_60 = arith.constant 0 : i32
    %dma_wait3A_61 = arith.constant 0 : i32
    %dma_wait3A_62 = tpu.memref_slice %arg6[%dma_wait3A_60, %dma_wait3A_61] : memref<626x16xf32, #tpu.memory_space<hbm>> -> memref<48x16xf32, #tpu.memory_space<hbm>>
    tpu.wait_dma2 semaphore(%arg20 : memref<!tpu.dma_semaphore, #tpu.memory_space<semaphore_mem>>) src(%dma_wait3A_62 : memref<48x16xf32, #tpu.memory_space<hbm>>) dst(%arg17 : memref<48x16xf32, #tpu.memory_space<vmem>>)
    %dma_wait3A_63 = arith.constant 0 : i32
    %dma_wait3A_64 = arith.constant 0 : i32
    %dma_wait3A_65 = tpu.memref_slice %arg6[%dma_wait3A_63, %dma_wait3A_64] : memref<626x16xf32, #tpu.memory_space<hbm>> -> memref<48x16xf32, #tpu.memory_space<hbm>>
    %dma_wait3A_66 = arith.constant 0 : i32
    %dma_wait3A_67 = arith.constant 0 : i32
    %dma_wait3A_68 = tpu.memref_slice %arg6[%dma_wait3A_66, %dma_wait3A_67] : memref<626x16xf32, #tpu.memory_space<hbm>> -> memref<48x16xf32, #tpu.memory_space<hbm>>
    tpu.wait_dma2 semaphore(%arg20 : memref<!tpu.dma_semaphore, #tpu.memory_space<semaphore_mem>>) src(%dma_wait3A_68 : memref<48x16xf32, #tpu.memory_space<hbm>>) dst(%arg17 : memref<48x16xf32, #tpu.memory_space<vmem>>)
    %dma_wait3A_69 = arith.constant 0 : i32
    %dma_wait3A_70 = arith.constant 0 : i32
    %dma_wait3A_71 = tpu.memref_slice %arg6[%dma_wait3A_69, %dma_wait3A_70] : memref<626x16xf32, #tpu.memory_space<hbm>> -> memref<48x16xf32, #tpu.memory_space<hbm>>
    %dma_wait3A_72 = arith.constant 0 : i32
    %dma_wait3A_73 = arith.constant 0 : i32
    %dma_wait3A_74 = tpu.memref_slice %arg6[%dma_wait3A_72, %dma_wait3A_73] : memref<626x16xf32, #tpu.memory_space<hbm>> -> memref<48x16xf32, #tpu.memory_space<hbm>>
    tpu.wait_dma2 semaphore(%arg20 : memref<!tpu.dma_semaphore, #tpu.memory_space<semaphore_mem>>) src(%dma_wait3A_74 : memref<48x16xf32, #tpu.memory_space<hbm>>) dst(%arg17 : memref<48x16xf32, #tpu.memory_space<vmem>>)
    %dma_wait3A_75 = arith.constant 0 : i32
    %dma_wait3A_76 = arith.constant 0 : i32
    %dma_wait3A_77 = tpu.memref_slice %arg6[%dma_wait3A_75, %dma_wait3A_76] : memref<626x16xf32, #tpu.memory_space<hbm>> -> memref<48x16xf32, #tpu.memory_space<hbm>>
    %dma_wait3A_78 = arith.constant 0 : i32
    %dma_wait3A_79 = arith.constant 0 : i32
    %dma_wait3A_80 = tpu.memref_slice %arg6[%dma_wait3A_78, %dma_wait3A_79] : memref<626x16xf32, #tpu.memory_space<hbm>> -> memref<48x16xf32, #tpu.memory_space<hbm>>
    tpu.wait_dma2 semaphore(%arg20 : memref<!tpu.dma_semaphore, #tpu.memory_space<semaphore_mem>>) src(%dma_wait3A_80 : memref<48x16xf32, #tpu.memory_space<hbm>>) dst(%arg17 : memref<48x16xf32, #tpu.memory_space<vmem>>)
    %barrier3A_81 = arith.constant 0 : index
    tpu.barrier barrier_id(%barrier3A_81)
    %mul3A_82 = arith.constant 626 : i32
    %mul3A_83 = arith.muli %arg1, %mul3A_82 : i32
    %mul3A_84 = arith.constant 626 : i32
    %mul3A_85 = arith.muli %arg1, %mul3A_84 : i32
    "tpu.region"() ({
      %run_scoped3A = tpu.sem_alloc : memref<!tpu.dma_semaphore, #tpu.memory_space<semaphore_mem>>
      %dma_start3A_90 = arith.constant 0 : i32
      %dma_start3A_91 = tpu.memref_slice %arg8[%arg0, %mul3A_85, %dma_start3A_90] : memref<2x10016x128xf32, #tpu.memory_space<hbm>> -> memref<1x626x128xf32, #tpu.memory_space<hbm>>
      %dma_start3A_92 = tpu.memref_squeeze %dma_start3A_91 : memref<1x626x128xf32, #tpu.memory_space<hbm>> -> memref<626x128xf32, #tpu.memory_space<hbm>>
      %dma_start3A_93 = arith.constant 0 : i32
      %dma_start3A_94 = tpu.memref_slice %arg10[%mul3A_83, %dma_start3A_93] : memref<10016x128xf32, #tpu.memory_space<vmem_shared>> -> memref<626x128xf32, #tpu.memory_space<vmem_shared>>
      tpu.enqueue_dma source(%dma_start3A_94 : memref<626x128xf32, #tpu.memory_space<vmem_shared>>) target(%dma_start3A_92 : memref<626x128xf32, #tpu.memory_space<hbm>>) target_semaphore(%run_scoped3A : memref<!tpu.dma_semaphore, #tpu.memory_space<semaphore_mem>>)
      %dma_wait3A_95 = arith.constant 0 : i32
      %dma_wait3A_96 = tpu.memref_slice %arg8[%arg0, %mul3A_85, %dma_wait3A_95] : memref<2x10016x128xf32, #tpu.memory_space<hbm>> -> memref<1x626x128xf32, #tpu.memory_space<hbm>>
      %dma_wait3A_97 = tpu.memref_squeeze %dma_wait3A_96 : memref<1x626x128xf32, #tpu.memory_space<hbm>> -> memref<626x128xf32, #tpu.memory_space<hbm>>
      %dma_wait3A_98 = arith.constant 0 : i32
      %dma_wait3A_99 = tpu.memref_slice %arg10[%mul3A_83, %dma_wait3A_98] : memref<10016x128xf32, #tpu.memory_space<vmem_shared>> -> memref<626x128xf32, #tpu.memory_space<vmem_shared>>
      tpu.wait_dma2 semaphore(%run_scoped3A : memref<!tpu.dma_semaphore, #tpu.memory_space<semaphore_mem>>) src(%dma_wait3A_99 : memref<626x128xf32, #tpu.memory_space<vmem_shared>>) dst(%dma_wait3A_97 : memref<626x128xf32, #tpu.memory_space<hbm>>)
      tpu.yield
    }) : () -> ()
    %mul3A_86 = arith.constant 626 : i32
    %mul3A_87 = arith.muli %arg1, %mul3A_86 : i32
    %mul3A_88 = arith.constant 626 : i32
    %mul3A_89 = arith.muli %arg1, %mul3A_88 : i32
    "tpu.region"() ({
      %run_scoped3A = tpu.sem_alloc : memref<!tpu.dma_semaphore, #tpu.memory_space<semaphore_mem>>
      %dma_start3A_90 = arith.constant 0 : i32
      %dma_start3A_91 = tpu.memref_slice %arg9[%arg0, %mul3A_89, %dma_start3A_90] : memref<2x10016x16xf32, #tpu.memory_space<hbm>> -> memref<1x626x16xf32, #tpu.memory_space<hbm>>
      %dma_start3A_92 = tpu.memref_squeeze %dma_start3A_91 : memref<1x626x16xf32, #tpu.memory_space<hbm>> -> memref<626x16xf32, #tpu.memory_space<hbm>>
      %dma_start3A_93 = arith.constant 0 : i32
      %dma_start3A_94 = tpu.memref_slice %arg11[%mul3A_87, %dma_start3A_93] : memref<10016x16xf32, #tpu.memory_space<vmem_shared>> -> memref<626x16xf32, #tpu.memory_space<vmem_shared>>
      tpu.enqueue_dma source(%dma_start3A_94 : memref<626x16xf32, #tpu.memory_space<vmem_shared>>) target(%dma_start3A_92 : memref<626x16xf32, #tpu.memory_space<hbm>>) target_semaphore(%run_scoped3A : memref<!tpu.dma_semaphore, #tpu.memory_space<semaphore_mem>>)
      %dma_wait3A_95 = arith.constant 0 : i32
      %dma_wait3A_96 = tpu.memref_slice %arg9[%arg0, %mul3A_89, %dma_wait3A_95] : memref<2x10016x16xf32, #tpu.memory_space<hbm>> -> memref<1x626x16xf32, #tpu.memory_space<hbm>>
      %dma_wait3A_97 = tpu.memref_squeeze %dma_wait3A_96 : memref<1x626x16xf32, #tpu.memory_space<hbm>> -> memref<626x16xf32, #tpu.memory_space<hbm>>
      %dma_wait3A_98 = arith.constant 0 : i32
      %dma_wait3A_99 = tpu.memref_slice %arg11[%mul3A_87, %dma_wait3A_98] : memref<10016x16xf32, #tpu.memory_space<vmem_shared>> -> memref<626x16xf32, #tpu.memory_space<vmem_shared>>
      tpu.wait_dma2 semaphore(%run_scoped3A : memref<!tpu.dma_semaphore, #tpu.memory_space<semaphore_mem>>) src(%dma_wait3A_99 : memref<626x16xf32, #tpu.memory_space<vmem_shared>>) dst(%dma_wait3A_97 : memref<626x16xf32, #tpu.memory_space<hbm>>)
      tpu.yield
    }) : () -> ()
    return
  }
}

module attributes {stable_mosaic.version = 14 : i64} {
  func.func @_tc_body(%arg0: i32, %arg1: memref<3x2xf32, #tpu.memory_space<smem>>, %arg2: memref<2x128x128xf32, #tpu.memory_space<vmem>>, %arg3: memref<1x1000x128xf32, #tpu.memory_space<vmem>>, %arg4: memref<1x1000x128xf32, #tpu.memory_space<vmem>>, %arg5: memref<1x1000x128xf32, #tpu.memory_space<vmem>>, %arg6: memref<1x1000x16xf32, #tpu.memory_space<vmem>>, %arg7: memref<1x1000x16xf32, #tpu.memory_space<vmem>>, %arg8: memref<1x1000x16xf32, #tpu.memory_space<vmem>>, %arg9: memref<1000x128xf32, #tpu.memory_space<vmem>>) attributes {dimension_semantics = [#tpu.dimension_semantics<arbitrary>], iteration_bounds = array<i64: 10>, scalar_prefetch = 0 : i64, scratch_operands = 0 : i64, tpu.core_type = #tpu.core_type<tc>, window_params = [{transform_indices = @transform_0, window_bounds = array<i64: 3, 2>}, {pipeline_mode = #tpu.pipeline_mode<synchronous>, transform_indices = @transform_1, window_bounds = array<i64: 2, 128, 128>}, {transform_indices = @transform_2, window_bounds = array<i64: 1, 1000, 128>}, {transform_indices = @transform_3, window_bounds = array<i64: 1, 1000, 128>}, {transform_indices = @transform_4, window_bounds = array<i64: 1, 1000, 128>}, {transform_indices = @transform_5, window_bounds = array<i64: 1, 1000, 16>}, {transform_indices = @transform_6, window_bounds = array<i64: 1, 1000, 16>}, {transform_indices = @transform_7, window_bounds = array<i64: 1, 1000, 16>}, {transform_indices = @transform_8, window_bounds = array<i64: 1000, 128>}]} {
    %get3A = arith.constant 0 : index
    %get3A_0 = arith.constant 0 : index
    %get3A_1 = memref.load %arg1[%get3A, %get3A_0] : memref<3x2xf32, #tpu.memory_space<smem>>
    %get3A_2 = arith.constant 0 : index
    %get3A_3 = arith.constant 0 : index
    %get3A_4 = arith.constant 0 : index
    %get3A_5 = vector.load %arg2[%get3A_2, %get3A_3, %get3A_4] : memref<2x128x128xf32, #tpu.memory_space<vmem>>, vector<1x128x128xf32>
    %get3A_6 = vector.shape_cast %get3A_5 : vector<1x128x128xf32> to vector<128x128xf32>
    %mul3A = vector.broadcast %get3A_1 : f32 to vector<128x128xf32>
    %mul3A_7 = arith.mulf %mul3A, %get3A_6 : vector<128x128xf32>
    %get3A_8 = arith.constant 0 : index
    %get3A_9 = arith.constant 1 : index
    %get3A_10 = memref.load %arg1[%get3A_8, %get3A_9] : memref<3x2xf32, #tpu.memory_space<smem>>
    %get3A_11 = arith.constant 1 : index
    %get3A_12 = arith.constant 0 : index
    %get3A_13 = arith.constant 0 : index
    %get3A_14 = vector.load %arg2[%get3A_11, %get3A_12, %get3A_13] : memref<2x128x128xf32, #tpu.memory_space<vmem>>, vector<1x128x128xf32>
    %get3A_15 = vector.shape_cast %get3A_14 : vector<1x128x128xf32> to vector<128x128xf32>
    %mul3A_16 = vector.broadcast %get3A_10 : f32 to vector<128x128xf32>
    %mul3A_17 = arith.mulf %mul3A_16, %get3A_15 : vector<128x128xf32>
    %add3A = arith.addf %mul3A_7, %mul3A_17 : vector<128x128xf32>
    %get3A_18 = arith.constant 1 : index
    %get3A_19 = arith.constant 0 : index
    %get3A_20 = memref.load %arg1[%get3A_18, %get3A_19] : memref<3x2xf32, #tpu.memory_space<smem>>
    %get3A_21 = arith.constant 0 : index
    %get3A_22 = arith.constant 0 : index
    %get3A_23 = arith.constant 0 : index
    %get3A_24 = vector.load %arg2[%get3A_21, %get3A_22, %get3A_23] : memref<2x128x128xf32, #tpu.memory_space<vmem>>, vector<1x128x128xf32>
    %get3A_25 = vector.shape_cast %get3A_24 : vector<1x128x128xf32> to vector<128x128xf32>
    %mul3A_26 = vector.broadcast %get3A_20 : f32 to vector<128x128xf32>
    %mul3A_27 = arith.mulf %mul3A_26, %get3A_25 : vector<128x128xf32>
    %get3A_28 = arith.constant 1 : index
    %get3A_29 = arith.constant 1 : index
    %get3A_30 = memref.load %arg1[%get3A_28, %get3A_29] : memref<3x2xf32, #tpu.memory_space<smem>>
    %get3A_31 = arith.constant 1 : index
    %get3A_32 = arith.constant 0 : index
    %get3A_33 = arith.constant 0 : index
    %get3A_34 = vector.load %arg2[%get3A_31, %get3A_32, %get3A_33] : memref<2x128x128xf32, #tpu.memory_space<vmem>>, vector<1x128x128xf32>
    %get3A_35 = vector.shape_cast %get3A_34 : vector<1x128x128xf32> to vector<128x128xf32>
    %mul3A_36 = vector.broadcast %get3A_30 : f32 to vector<128x128xf32>
    %mul3A_37 = arith.mulf %mul3A_36, %get3A_35 : vector<128x128xf32>
    %add3A_38 = arith.addf %mul3A_27, %mul3A_37 : vector<128x128xf32>
    %get3A_39 = arith.constant 2 : index
    %get3A_40 = arith.constant 0 : index
    %get3A_41 = memref.load %arg1[%get3A_39, %get3A_40] : memref<3x2xf32, #tpu.memory_space<smem>>
    %get3A_42 = arith.constant 0 : index
    %get3A_43 = arith.constant 0 : index
    %get3A_44 = arith.constant 0 : index
    %get3A_45 = vector.load %arg2[%get3A_42, %get3A_43, %get3A_44] : memref<2x128x128xf32, #tpu.memory_space<vmem>>, vector<1x128x128xf32>
    %get3A_46 = vector.shape_cast %get3A_45 : vector<1x128x128xf32> to vector<128x128xf32>
    %mul3A_47 = vector.broadcast %get3A_41 : f32 to vector<128x128xf32>
    %mul3A_48 = arith.mulf %mul3A_47, %get3A_46 : vector<128x128xf32>
    %get3A_49 = arith.constant 2 : index
    %get3A_50 = arith.constant 1 : index
    %get3A_51 = memref.load %arg1[%get3A_49, %get3A_50] : memref<3x2xf32, #tpu.memory_space<smem>>
    %get3A_52 = arith.constant 1 : index
    %get3A_53 = arith.constant 0 : index
    %get3A_54 = arith.constant 0 : index
    %get3A_55 = vector.load %arg2[%get3A_52, %get3A_53, %get3A_54] : memref<2x128x128xf32, #tpu.memory_space<vmem>>, vector<1x128x128xf32>
    %get3A_56 = vector.shape_cast %get3A_55 : vector<1x128x128xf32> to vector<128x128xf32>
    %mul3A_57 = vector.broadcast %get3A_51 : f32 to vector<128x128xf32>
    %mul3A_58 = arith.mulf %mul3A_57, %get3A_56 : vector<128x128xf32>
    %add3A_59 = arith.addf %mul3A_48, %mul3A_58 : vector<128x128xf32>
    %get3A_60 = arith.constant 0 : index
    %get3A_61 = arith.constant 0 : index
    %get3A_62 = arith.constant 0 : index
    %get3A_63 = vector.load %arg3[%get3A_60, %get3A_61, %get3A_62] : memref<1x1000x128xf32, #tpu.memory_space<vmem>>, vector<1x1000x128xf32>
    %get3A_64 = vector.shape_cast %get3A_63 : vector<1x1000x128xf32> to vector<1000x128xf32>
    %lt3A = arith.constant 5 : i32
    %lt3A_65 = arith.cmpi slt, %arg0, %lt3A : i32
    %convert_element_type3A = arith.extui %lt3A_65 : i1 to i32
    %cond3A = arith.constant 0 : i32
    %cond3A_66 = arith.cmpi ne, %convert_element_type3A, %cond3A : i32
    scf.if %cond3A_66 {
      %get3A_71 = arith.constant 0 : index
      %get3A_72 = arith.constant 0 : index
      %get3A_73 = arith.constant 0 : index
      %get3A_74 = vector.load %arg6[%get3A_71, %get3A_72, %get3A_73] : memref<1x1000x16xf32, #tpu.memory_space<vmem>>, vector<1x1000x16xf32>
      %get3A_75 = vector.shape_cast %get3A_74 : vector<1x1000x16xf32> to vector<1000x16xf32>
      %slice3A = vector.extract_strided_slice %get3A_75 {offsets = [0, 0], sizes = [1000, 1], strides = [1, 1]} : vector<1000x16xf32> to vector<1000x1xf32>
      %max3A = arith.constant 1.000000e+00 : f32
      %max3A_76 = vector.broadcast %max3A : f32 to vector<1000x1xf32>
      %max3A_77 = arith.maximumf %slice3A, %max3A_76 : vector<1000x1xf32>
      %dot_general3A = arith.constant dense<0.000000e+00> : vector<1000x128xf32>
      %dot_general3A_78 = tpu.matmul %get3A_64, %add3A, %dot_general3A {dimension_numbers = #tpu.dot_dimension_numbers<[1], [0], [0], [1], [0, 0, 1, 1], [], []>, transpose_lhs_hint = false} : vector<1000x128xf32>, vector<128x128xf32>, vector<1000x128xf32> -> vector<1000x128xf32>
      %div3A = vector.broadcast %max3A_77 : vector<1000x1xf32> to vector<1000x128xf32>
      %div3A_79 = arith.divf %dot_general3A_78, %div3A : vector<1000x128xf32>
      %max3A_80 = arith.constant 0.000000e+00 : f32
      %max3A_81 = vector.broadcast %max3A_80 : f32 to vector<1000x128xf32>
      %max3A_82 = arith.maximumf %div3A_79, %max3A_81 : vector<1000x128xf32>
      %swap3A = arith.constant 0 : index
      %swap3A_83 = arith.constant 0 : index
      %swap3A_84 = vector.load %arg9[%swap3A, %swap3A_83] : memref<1000x128xf32, #tpu.memory_space<vmem>>, vector<1000x128xf32>
      tpu.vector_store %arg9[%swap3A, %swap3A_83], %max3A_82 {strides = array<i32>} : memref<1000x128xf32, #tpu.memory_space<vmem>>, vector<1000x128xf32>,
    } else {
    }
    %ge3A = arith.constant 5 : i32
    %ge3A_67 = arith.cmpi sge, %arg0, %ge3A : i32
    %convert_element_type3A_68 = arith.extui %ge3A_67 : i1 to i32
    %cond3A_69 = arith.constant 0 : i32
    %cond3A_70 = arith.cmpi ne, %convert_element_type3A_68, %cond3A_69 : i32
    scf.if %cond3A_70 {
      %get3A_71 = arith.constant 0 : index
      %get3A_72 = arith.constant 0 : index
      %get3A_73 = arith.constant 0 : index
      %get3A_74 = vector.load %arg4[%get3A_71, %get3A_72, %get3A_73] : memref<1x1000x128xf32, #tpu.memory_space<vmem>>, vector<1x1000x128xf32>
      %get3A_75 = vector.shape_cast %get3A_74 : vector<1x1000x128xf32> to vector<1000x128xf32>
      %add3A_76 = arith.addf %get3A_64, %get3A_75 : vector<1000x128xf32>
      %get3A_77 = arith.constant 0 : index
      %get3A_78 = arith.constant 0 : index
      %get3A_79 = arith.constant 0 : index
      %get3A_80 = vector.load %arg6[%get3A_77, %get3A_78, %get3A_79] : memref<1x1000x16xf32, #tpu.memory_space<vmem>>, vector<1x1000x16xf32>
      %get3A_81 = vector.shape_cast %get3A_80 : vector<1x1000x16xf32> to vector<1000x16xf32>
      %slice3A = vector.extract_strided_slice %get3A_81 {offsets = [0, 0], sizes = [1000, 1], strides = [1, 1]} : vector<1000x16xf32> to vector<1000x1xf32>
      %get3A_82 = arith.constant 0 : index
      %get3A_83 = arith.constant 0 : index
      %get3A_84 = arith.constant 0 : index
      %get3A_85 = vector.load %arg7[%get3A_82, %get3A_83, %get3A_84] : memref<1x1000x16xf32, #tpu.memory_space<vmem>>, vector<1x1000x16xf32>
      %get3A_86 = vector.shape_cast %get3A_85 : vector<1x1000x16xf32> to vector<1000x16xf32>
      %slice3A_87 = vector.extract_strided_slice %get3A_86 {offsets = [0, 0], sizes = [1000, 1], strides = [1, 1]} : vector<1000x16xf32> to vector<1000x1xf32>
      %add3A_88 = arith.addf %slice3A, %slice3A_87 : vector<1000x1xf32>
      %max3A = arith.constant 1.000000e+00 : f32
      %max3A_89 = vector.broadcast %max3A : f32 to vector<1000x1xf32>
      %max3A_90 = arith.maximumf %add3A_88, %max3A_89 : vector<1000x1xf32>
      %get3A_91 = arith.constant 0 : index
      %get3A_92 = arith.constant 0 : index
      %get3A_93 = arith.constant 0 : index
      %get3A_94 = vector.load %arg8[%get3A_91, %get3A_92, %get3A_93] : memref<1x1000x16xf32, #tpu.memory_space<vmem>>, vector<1x1000x16xf32>
      %get3A_95 = vector.shape_cast %get3A_94 : vector<1x1000x16xf32> to vector<1000x16xf32>
      %slice3A_96 = vector.extract_strided_slice %get3A_95 {offsets = [0, 0], sizes = [1000, 1], strides = [1, 1]} : vector<1000x16xf32> to vector<1000x1xf32>
      %max3A_97 = arith.constant 1.000000e+00 : f32
      %max3A_98 = vector.broadcast %max3A_97 : f32 to vector<1000x1xf32>
      %max3A_99 = arith.maximumf %slice3A_96, %max3A_98 : vector<1000x1xf32>
      %dot_general3A = arith.constant dense<0.000000e+00> : vector<1000x128xf32>
      %dot_general3A_100 = tpu.matmul %add3A_76, %add3A_38, %dot_general3A {dimension_numbers = #tpu.dot_dimension_numbers<[1], [0], [0], [1], [0, 0, 1, 1], [], []>, transpose_lhs_hint = false} : vector<1000x128xf32>, vector<128x128xf32>, vector<1000x128xf32> -> vector<1000x128xf32>
      %div3A = vector.broadcast %max3A_90 : vector<1000x1xf32> to vector<1000x128xf32>
      %div3A_101 = arith.divf %dot_general3A_100, %div3A : vector<1000x128xf32>
      %get3A_102 = arith.constant 0 : index
      %get3A_103 = arith.constant 0 : index
      %get3A_104 = arith.constant 0 : index
      %get3A_105 = vector.load %arg5[%get3A_102, %get3A_103, %get3A_104] : memref<1x1000x128xf32, #tpu.memory_space<vmem>>, vector<1x1000x128xf32>
      %get3A_106 = vector.shape_cast %get3A_105 : vector<1x1000x128xf32> to vector<1000x128xf32>
      %dot_general3A_107 = arith.constant dense<0.000000e+00> : vector<1000x128xf32>
      %dot_general3A_108 = tpu.matmul %get3A_106, %add3A_59, %dot_general3A_107 {dimension_numbers = #tpu.dot_dimension_numbers<[1], [0], [0], [1], [0, 0, 1, 1], [], []>, transpose_lhs_hint = false} : vector<1000x128xf32>, vector<128x128xf32>, vector<1000x128xf32> -> vector<1000x128xf32>
      %div3A_109 = vector.broadcast %max3A_99 : vector<1000x1xf32> to vector<1000x128xf32>
      %div3A_110 = arith.divf %dot_general3A_108, %div3A_109 : vector<1000x128xf32>
      %add3A_111 = arith.addf %div3A_101, %div3A_110 : vector<1000x128xf32>
      %max3A_112 = arith.constant 0.000000e+00 : f32
      %max3A_113 = vector.broadcast %max3A_112 : f32 to vector<1000x128xf32>
      %max3A_114 = arith.maximumf %add3A_111, %max3A_113 : vector<1000x128xf32>
      %swap3A = arith.constant 0 : index
      %swap3A_115 = arith.constant 0 : index
      %swap3A_116 = vector.load %arg9[%swap3A, %swap3A_115] : memref<1000x128xf32, #tpu.memory_space<vmem>>, vector<1000x128xf32>
      tpu.vector_store %arg9[%swap3A, %swap3A_115], %max3A_114 {strides = array<i32>} : memref<1000x128xf32, #tpu.memory_space<vmem>>, vector<1000x128xf32>,
    } else {
    }
    return
  }
  func.func @transform_0(%arg0: i32) -> (i32, i32) {
    %c0_i32 = arith.constant 0 : i32
    %c0_i32_0 = arith.constant 0 : i32
    %c0_i32_1 = arith.constant 0 : i32
    return %c0_i32, %c0_i32_0 : i32, i32
  }
  func.func @transform_1(%arg0: i32) -> (i32, i32, i32) {
    %c0_i32 = arith.constant 0 : i32
    %c0_i32_0 = arith.constant 0 : i32
    %c0_i32_1 = arith.constant 0 : i32
    %c0_i32_2 = arith.constant 0 : i32
    return %c0_i32, %c0_i32_0, %c0_i32_1 : i32, i32, i32
  }
  func.func @transform_2(%arg0: i32) -> (i32, i32, i32) {
    %c0_i32 = arith.constant 0 : i32
    %c0_i32_0 = arith.constant 0 : i32
    %c0_i32_1 = arith.constant 0 : i32
    return %c0_i32, %arg0, %c0_i32_0 : i32, i32, i32
  }
  func.func @transform_3(%arg0: i32) -> (i32, i32, i32) {
    %c1_i32 = arith.constant 1 : i32
    %c0_i32 = arith.constant 0 : i32
    %c0_i32_0 = arith.constant 0 : i32
    return %c1_i32, %arg0, %c0_i32 : i32, i32, i32
  }
  func.func @transform_4(%arg0: i32) -> (i32, i32, i32) {
    %rem3A = arith.constant 5 : i32
    %rem3A_0 = arith.remsi %arg0, %rem3A : i32
    %c1_i32 = arith.constant 1 : i32
    %c0_i32 = arith.constant 0 : i32
    %c0_i32_1 = arith.constant 0 : i32
    return %c1_i32, %rem3A_0, %c0_i32 : i32, i32, i32
  }
  func.func @transform_5(%arg0: i32) -> (i32, i32, i32) {
    %c0_i32 = arith.constant 0 : i32
    %c0_i32_0 = arith.constant 0 : i32
    %c0_i32_1 = arith.constant 0 : i32
    return %c0_i32, %arg0, %c0_i32_0 : i32, i32, i32
  }
  func.func @transform_6(%arg0: i32) -> (i32, i32, i32) {
    %c1_i32 = arith.constant 1 : i32
    %c0_i32 = arith.constant 0 : i32
    %c0_i32_0 = arith.constant 0 : i32
    return %c1_i32, %arg0, %c0_i32 : i32, i32, i32
  }
  func.func @transform_7(%arg0: i32) -> (i32, i32, i32) {
    %rem3A = arith.constant 5 : i32
    %rem3A_0 = arith.remsi %arg0, %rem3A : i32
    %c1_i32 = arith.constant 1 : i32
    %c0_i32 = arith.constant 0 : i32
    %c0_i32_1 = arith.constant 0 : i32
    return %c1_i32, %rem3A_0, %c0_i32 : i32, i32, i32
  }
  func.func @transform_8(%arg0: i32) -> (i32, i32) {
    %c0_i32 = arith.constant 0 : i32
    %c0_i32_0 = arith.constant 0 : i32
    return %arg0, %c0_i32 : i32, i32
  }
}

</mosaic_0001>

<sc_bundles>
// kernel: kernel.4.cloned.1.call-start
scs
__scs_entry_jumppad:
0x0: {  	(pc) =	sbr.rel $0x88, $3  }
0x1: {  	(tag) =	ssettag $0x0;
	lr =	simm.s32 $0x1  }
0x2: {  	[smem:$0x3F9A] =	sst lr;
	_ =	strace $0xD0000000  }
0x3: {  	_ = 	snop  }
0x4: {  	_ = 	snop  }
0x5: {  	_ = 	snop  }
0x6: {  	_ = 	snop  }
0x7: {  	_ = 	snop  }
__scs_overlays_trampoline_lowered:
0x8: {  	[smem:$0x3FA9] =	sst s0  }
0x9: {  	[smem:$0x3FAA] =	sst s1  }
0xa: {  	[smem:$0x3FAB] =	sst s2  }
0xb: {  	[smem:$0x3FAC] =	sst s3  }
0xc: {  	[smem:$0x3FAD] =	sst s4  }
0xd: {  	[smem:$0x3FAE] =	sst s5  }
0xe: {  	[smem:$0x3FAF] =	sst s6  }
0xf: {  	[smem:$0x3FB0] =	sst s7  }
0x10: {  	[smem:$0x3FB1] =	sst s8  }
0x11: {  	[smem:$0x3FB2] =	sst s9;
	s0 =	simm.s32 @!p0 $0x0  }
0x12: {  	s1 =	sld [smem:$0x3F98];
	s0 =	simm.s32 @p0 $0x1  }
0x13: {  	[smem:$0x3FB3] =	sst s0;
	s0 =	simm.s32 @!p1 $0x0  }
0x14: {  	s2 =	sld [smem:$0x3F97];
	s0 =	simm.s32 @p1 $0x1  }
0x15: {  	[smem:$0x3FB4] =	sst s0;
	s0 =	simm.s32 @!p2 $0x0  }
0x16: {  	s3 =	sld [smem:$0x3FDB];
	s0 =	simm.s32 @p2 $0x1  }
0x17: {  	s4 =	simm.s32 $0x1BF5;
	[smem:$0x3FB6] =	sst s0  }
0x18: {  	s0 =	sld [smem:$0x3F99];
	_ =	swait.ge [sflag:s4], $0x0  }
0x19: {  	s7 =	sld [smem:$0x3F9A]  }
0x1a: {  	s8 =	sadd.s32 $0xFFFFE003, lr  }
0x1b: {  	s9 =	sadd.s32 $0xFFFFFEF7, lr;
	s5 =	simm.s32 $0xFFFFFFFF;
	p2 =	slt.u32 s8, $0xFFFFF086  }
0x1c: {  	p1 =	slt.u32 s9, $0xF7A;
	s5 =	simm.s32 @!p2 $0x0  }
0x1d: {  	s5 =	simm.s32 @p1 $0x1;
	p0 =	seq.s32 s7, s2  }
0x1e: {  	s7 =	smul.u32 @!p0 $0xF7A, s2;
	p2 =	seq.s32 @!p0 s5, $0x0  }
0x1f: {  	s9 =	smul.u32 $0xF7A, s1;
	s8 =	simm.s32 @!p0 $0x1BF5;
	p2 =	por !p2, p0  }
0x20: {  	[sflag:s8] =	ssyncset.s32 @!p0 $0xFFFFF086;
	s6 =	sadd.s32 @!p0 s3, s7;
	s7 =	simm.s32 @!p0 $0x108  }
0x21: {  	s3 =	sadd.s32 s3, s9;
	s6 =	sadd.s32 @!p0 $0x88, s6;
	s7 =	simm.s32 @p2 $0x1082  }
0x22: {  	[simem:s7], [sflag:s8] =	dma.local @!p0 [hbm:s6], $0xF7A  }
0x23: {  	s9 =	sor.u32 $0xD0000000, s2;
	s6 =	simm.s32 $0x108;
	_ =	swait.ge @!p0 [sflag:s8], $0x0  }
0x24: {  	s3 =	sadd.s32 $0x88, s3;
	s6 =	simm.s32 @!p1 $0x1082;
	[sflag:s4] =	ssyncset.s32 $0xFFFFF086  }
0x25: {  	[simem:s6], [sflag:s4] =	dma.local [hbm:s3], $0xF7A  }
0x26: {  	[smem:$0x3F9A] =	sst s1;
	(tag) =	ssettag s2;
	_ =	strace s9  }
0x27: {  	s1 =	sld [smem:$0x3FAA]  }
0x28: {  	s2 =	sld [smem:$0x3FAB]  }
0x29: {  	s4 =	sld [smem:$0x3FAD]  }
0x2a: {  	p0 =	seq.s32 s5, $0x0;
	s5 =	sld [smem:$0x3FAE]  }
0x2b: {  	s6 =	sld [smem:$0x3FAF]  }
0x2c: {  	s7 =	sld [smem:$0x3FB0]  }
0x2d: {  	s3 =	simm.s32 $0x108;
	s8 =	sld [smem:$0x3FB1]  }
0x2e: {  	s3 =	simm.s32 @!p0 $0x1082;
	s9 =	sld [smem:$0x3FB2]  }
0x2f: {  	lr =	sadd.s32 s0, s3;
	s0 =	sld [smem:$0x3FA9]  }
0x30: {  	s3 =	sld [smem:$0x3FAC]  }
0x31: {  	[smem:$0x3FB5] =	sst s10  }
0x32: {  	s10 =	sld [smem:$0x3FB3];
	_ =	sdelay $0x3  }
0x33: {  	p0 =	seq.s32 s10, $0x1;
	s10 =	sld [smem:$0x3FB5];
	_ =	sdelay $0x3  }
0x34: {  	[smem:$0x3FB5] =	sst s10  }
0x35: {  	s10 =	sld [smem:$0x3FB4];
	_ =	sdelay $0x3  }
0x36: {  	p1 =	seq.s32 s10, $0x1;
	s10 =	sld [smem:$0x3FB5];
	_ =	sdelay $0x3  }
0x37: {  	[smem:$0x3FB5] =	sst s10  }
0x38: {  	s10 =	sld [smem:$0x3FB6]  }
0x39: {  	_ = 	snop;
	(pc) =	sbr.ind lr, $3  }
0x3a: {  	_ = 	snop  }
0x3b: {  	_ = 	snop  }
0x3c: {  	p2 =	seq.s32 s10, $0x1;
	s10 =	sld [smem:$0x3FB5]  }
0x3d: {  	_ =	shalt  }
0x3e: {  	_ =	shalt  }
0x3f: {  	_ =	shalt  }
0x40: {  	_ =	shalt  }
0x41: {  	_ =	shalt  }
0x42: {  	_ =	shalt  }
0x43: {  	_ =	shalt  }
0x44: {  	_ =	shalt  }
0x45: {  	_ =	shalt  }
0x46: {  	_ =	shalt  }
0x47: {  	_ =	shalt  }
0x48: {  	_ =	shalt  }
0x49: {  	_ =	shalt  }
0x4a: {  	_ =	shalt  }
0x4b: {  	_ =	shalt  }
0x4c: {  	_ =	shalt  }
0x4d: {  	_ =	shalt  }
0x4e: {  	_ =	shalt  }
0x4f: {  	_ =	shalt  }
0x50: {  	_ =	shalt  }
0x51: {  	_ =	shalt  }
0x52: {  	_ =	shalt  }
0x53: {  	_ =	shalt  }
0x54: {  	_ =	shalt  }
0x55: {  	_ =	shalt  }
0x56: {  	_ =	shalt  }
0x57: {  	_ =	shalt  }
0x58: {  	_ =	shalt  }
0x59: {  	_ =	shalt  }
0x5a: {  	_ =	shalt  }
0x5b: {  	_ =	shalt  }
0x5c: {  	_ =	shalt  }
0x5d: {  	_ =	shalt  }
0x5e: {  	_ =	shalt  }
0x5f: {  	_ =	shalt  }
0x60: {  	_ =	shalt  }
0x61: {  	_ =	shalt  }
0x62: {  	_ =	shalt  }
0x63: {  	_ =	shalt  }
0x64: {  	_ =	shalt  }
0x65: {  	_ =	shalt  }
0x66: {  	_ =	shalt  }
0x67: {  	_ =	shalt  }
0x68: {  	_ =	shalt  }
0x69: {  	_ =	shalt  }
0x6a: {  	_ =	shalt  }
0x6b: {  	_ =	shalt  }
0x6c: {  	_ =	shalt  }
0x6d: {  	_ =	shalt  }
0x6e: {  	_ =	shalt  }
0x6f: {  	_ =	shalt  }
0x70: {  	_ =	shalt  }
0x71: {  	_ =	shalt  }
0x72: {  	_ =	shalt  }
0x73: {  	_ =	shalt  }
0x74: {  	_ =	shalt  }
0x75: {  	_ =	shalt  }
0x76: {  	_ =	shalt  }
0x77: {  	_ =	shalt  }
0x78: {  	_ =	shalt  }
0x79: {  	_ =	shalt  }
0x7a: {  	_ =	shalt  }
0x7b: {  	_ =	shalt  }
0x7c: {  	_ =	shalt  }
0x7d: {  	_ =	shalt  }
0x7e: {  	_ =	shalt  }
0x7f: {  	_ =	shalt  }
0x80: {  	_ =	shalt  }
0x81: {  	_ =	shalt  }
0x82: {  	_ =	shalt  }
0x83: {  	_ =	shalt  }
0x84: {  	_ =	shalt  }
0x85: {  	_ =	shalt  }
0x86: {  	_ =	shalt  }
0x87: {  	_ =	shalt  }
.Lfunc_end0:
.L_simem_size_0:
called_computation_lowered:
.L_overlay_start_0:
0x88: {  	s2 =	sld [smem:$0x3FD9]  }
0x89: {  	s3 =	sld [smem:$0x3FFE];
	_ =	sdelay $0x1  }
0x8a: {  	s1 =	srdreg.scid  }
0x8b: {  	s0 =	sand.u32 $0x1, s1  }
0x8c: {  	s17 =	sshll.u32 s0, $0xA;
	s2 =	sadd.s32 s3, s2  }
0x8d: {  	s2 =	sadd.s32 s2, s17  }
0x8e: {  	[smem:$0x3FC1] =	sst s2  }
0x8f: {  	_ = 	snop  }
0x90: {  	s2 =	sld [smem:$0x3FD0];
	(tm) =	ssettm $0x1  }
0x91: {  	s18 =	sld [smem:$0x3FFB];
	_ =	sdelay $0x3  }
0x92: {  	_ =	strace s18  }
0x93: {  	s3 =	sld [smem:$0x3FFC];
	_ =	sdelay $0x3  }
0x94: {  	_ =	strace s3  }
0x95: {  	s3 =	sld [smem:$0x3FFD];
	_ =	sdelay $0x3  }
0x96: {  	_ =	strace s3  }
0x97: {  	_ =	strace $0x8FFFFFFF  }
0x98: {  	s19 =	sld [smem:$0x3FDB];
	_ =	sdelay $0x1  }
0x99: {  	s4 =	simm.s32 $_scs_section_size  }
0x9a: {  	s5 =	simm.s32 $_size__tile_overlayer_lowered;
	s6 =	simm.s32 $_tile_overlayer_lowered  }
0x9b: {  	s22 =	simm.s32 $0x1BFF;
	s21 =	sshll.u32 s6, $0x1;
	s3 =	sadd.s32 s4, s19  }
0x9c: {  	s7 =	simm.s32 $0x0;
	s20 =	sshll.u32 s5, $0x1;
	s5 =	sadd.s32 s21, s3  }
0x9d: {  	[timem:s7], [sflag:s22] =	dma.local [hbm:s5], s20  }
0x9e: {  	_ =	swait.ge [sflag:s22], s20  }
0x9f: {  	s4 =	ssub.s32 $0x0, s20;
	[sflag:s22] =	ssyncset.done $0x0  }
0xa0: {  	[sflag:s22] =	ssyncadd.s32 s4;
	_ =	sdelay $0x1  }
0xa1: {  	s23 =	simm.s32 $0x1B8B  }
0xa2: {  	_ =	swait.ge [sflag:s23], $0x1  }
0xa3: {  	[sflag:s23] =	ssyncset.done $0x0  }
0xa4: {  	s25 =	simm.s32 $0x1B8E;
	s24 =	sld [smem:$0x3FFE];
	[sflag:s23] =	ssyncadd.s32 $0xFFFFFFFF  }
0xa5: {  	s26 =	simm.s32 $execute0_lowered;
	[smem:$0x3FD2] =	sst s25  }
0xa6: {  	s5 =	sshll.u32 s26, $0x1;
	_ =	strace $0x80000046;
	[dreg:$0x1] =	wrdreg $0xFFFFFFFF  }
0xa7: {  	s28 =	simm.s32 $_size_execute0_lowered;
	s3 =	sadd.s32 s3, s5;
	[dreg:$0x0] =	wrdreg $0x0  }
0xa8: {  	s5 =	sshll.u32 s28, $0x1;
	[dreg:$0x2] =	wrdreg s3  }
0xa9: {  	[dreg:$0x3] =	wrdreg s5  }
0xaa: {  	[dreg:$0x4] =	wrdreg $0xC0  }
0xab: {  	_ =	task [dreg:s7], $0x5FFFF  }
0xac: {  	[dreg:$0x1] =	wrdreg $0xFFFFFFFF  }
0xad: {  	[dreg:$0x0] =	wrdreg $0x60  }
0xae: {  	[dreg:$0x2] =	wrdreg s24  }
0xaf: {  	[dreg:$0x3] =	wrdreg s2  }
0xb0: {  	[dreg:$0x4] =	wrdreg $0x0  }
0xb1: {  	[dreg:$0x5] =	wrdreg $0x139000  }
0xb2: {  	[dreg:$0x6] =	wrdreg $0x9  }
0xb3: {  	_ =	task.clear_ibuf [dreg:s7], $0x7FFFF;
	_ =	strace $0x90000046  }
0xb4: {  	s29 =	simm.s32 $0x9;
	_ =	strace $0x80000048  }
0xb5: {  	_ =	swait.ge [sflag:s29], $0x1  }
0xb6: {  	[sflag:s29] =	ssyncadd.s32 $0xFFFFFFFF  }
0xb7: {  	_ =	strace $0x90000048  }
0xb8: {  	_ =	sfence  }
0xb9: {  	s30 =	sld [smem:$0x0];
	_ =	sdelay $0x2  }
0xba: {  	s31 =	sshll.u32 s1, $0xD;
	s1 =	sshrl.u32 s1, $0x2  }
0xbb: {  	s3 =	sand.u32 $0x4000, s31;
	s1 =	sadd.s32 s1, s30  }
0xbc: {  	s0 =	sor.u32 s3, s0;
	s1 =	sshll.u32 s1, $0x11  }
0xbd: {  	s0 =	sor.u32 s1, s0  }
0xbe: {  	s0 =	sadd.s32 $0x8F2B, s0  }
0xbf: {  	[sflag:s0] =	ssyncadd.remote.s32 $0x1  }
0xc0: {  	_ =	sfence.sel $0xFFFF  }
0xc1: {  	[dreg:$0x0] =	wrdreg $0xFFFFFFFF;
	(pc) =	sbr.abs _section_cstart, $3  }
0xc2: {  	[dreg:$0x1] =	wrdreg $0xFFFFFFFF  }
0xc3: {  	_ =	task.clear_ibuf [dreg:s7], $0x2FFFF;
	_ =	strace $0x9FFFFFFF  }
0xc4: {  	(tm) =	ssettm $0x7FFFFFFF  }
0xc5: {  	_ =	shalt  }
tec
execute0_lowered:
.L_overlay_start_1:
0x0: {  	(tag) =	ssettag $0x1  }
0x1: {  	s0 =	rddreg [dreg:$0x0]  }
0x2: {  	s3 =	rddreg [dreg:$0x1]  }
0x3: {  	s1 =	rddreg [dreg:$0x2]  }
0x4: {  	s2 =	rddreg [dreg:$0x3];
	s4 =	simm.s32 $0x0  }
0x5: {  	s5 =	srdreg.scid;
	s19 =	stileid.u32;
	s20 =	simm.s32 $0x18540  }
0x6: {  	s21 =	simm.s32 $0x30;
	s22 =	simm.s32 $0x1AA60;
	s28 =	simm.s32 $0x1DA60  }
0x7: {  	s30 =	simm.s32 $0x2;
	s23 =	simm.s32 $0x3;
	s10 =	smul.u32 $0x13900, s19  }
0x8: {  	[smem:$0x7FF] =	sst s4;
	s9 =	sand.u32 $0x1, s5;
	s12 =	smul.u32 $0x2720, s19  }
0x9: {  	s5 =	sadd.s32 $0x12C00, s0;
	s6 =	sadd.s32 $0x3A600, s0;
	s16 =	smul.u32 $0x2520, s19  }
0xa: {  	s7 =	sadd.s32 $0x3A000, s0;
	s8 =	sadd.s32 $0x39E00, s0;
	s11 =	smul.u32 $0x139000, s9  }
0xb: {  	s25 =	sshll.u32 s19, $0x6;
	s19 =	simm.s32 $0x16020;
	s14 =	smul.u32 $0x25200, s9  }
0xc: {  	_ =	strace $0x80000047;
	s13 =	ssub.s32 $0x2, s9;
	s24 =	smul.u32 $0x27200, s9  }
0xd: {  	s9 =	sor.u32 $0x1C04, s25;
	s25 =	simm.s32 $0x1;
	s15 =	sshrl.u32 s13, $0x1  }
0xe: {  	s18 =	sadd.s32 s10, s1;
	s29 =	sadd.s32 s12, s2;
	s11 =	sadd.s32 s10, s11  }
0xf: {  	s15 =	ssub.s32 s13, s15;
	s26 =	sadd.s32 s16, s14;
	s16 =	simm.s32 $0x4  }
0x10: {  	s11 =	sshrl.u32 s11, $0x3;
	s10 =	sshrl.u32 s26, $0x3;
	s14 =	smax.u32 s15, $0x1  }
0x11: {  	s15 =	sshrl.u32 s18, $0x3;
	s18 =	simm.s32 $0x1F260;
	s26 =	simm.s32 $0x0  }
0x12: {  	s17 =	sadd.s32 s11, s0;
	s11 =	sadd.s32 s12, s24;
	s10 =	sadd.s32 s0, s10  }
0x13: {  	s24 =	simm.s32 $0x1C260;
	s31 =	sshrl.u32 s11, $0x3;
	s11 =	sadd.s32 $0x9600, s10  }
0x14: {  	s12 =	sadd.s32 $0x3CE00, s17;
	s17 =	sshrl.u32 s29, $0x3;
	s13 =	sadd.s32 s3, s31  }
.LBB2_1:
0x15: {  	[spmem:s15], [sflag:s9] =	dma.local [hbm:s6], $0x2720  }
0x16: {  	_ =	swait.ge [sflag:s16], $0x2720  }
0x17: {  	[sflag:s16] =	ssyncset.done $0x0  }
0x18: {  	[sflag:s16] =	ssyncadd.s32 $0xFFFFD8E0  }
0x19: {  	[spmem:s17], [sflag:s9] =	dma.local [hbm:s7], $0x4E4  }
0x1a: {  	_ =	swait.ge [sflag:s16], $0x4E4  }
0x1b: {  	[sflag:s16] =	ssyncset.done $0x0  }
0x1c: {  	[sflag:s16] =	ssyncadd.s32 $0xFFFFFB1C  }
0x1d: {  	[tilespmem:s18], [sflag:$0x4] =	stream.linear.gather [hbm4b:s8+s4], $0x300, $0x38;
	[tilespmem:$0x1F560] =	vst v63  }
0x1e: {  	_ =	swait.ge [sflag:s16], $0x300  }
0x1f: {  	[sflag:s16] =	ssyncset.done $0x0  }
0x20: {  	[sflag:s16] =	ssyncadd.s32 $0xFFFFFD00  }
0x21: {  	[tilespmem:s19], [sflag:$0x4] =	stream.linear.gather [hbm4b:s10+s4], $0x2520, $0x38;
	[tilespmem:$0x1F560] =	vst v63  }
0x22: {  	_ =	swait.ge [sflag:s16], $0x2520  }
0x23: {  	[sflag:s16] =	ssyncset.done $0x0  }
0x24: {  	[sflag:s16] =	ssyncadd.s32 $0xFFFFDAE0  }
0x25: {  	[tilespmem:s20], [sflag:$0x4] =	stream.linear.gather [hbm4b:s11+s4], $0x2520, $0x38;
	[tilespmem:$0x1F560] =	vst v63  }
0x26: {  	_ =	swait.ge [sflag:s16], $0x2520  }
0x27: {  	[sflag:s16] =	ssyncset.done $0x0  }
0x28: {  	[sflag:s16] =	ssyncadd.s32 $0xFFFFDAE0  }
0x29: {  	[bflag:$0x0] =	sbarrier.arrive $0xFFFF  }
0x2a: {  	[tilespmem:s22], [sflag:$0x1] =	stream.indirect.gather [hbm4b:s5+s21], $0x80, s19, s21, $0xb8;
	[tilespmem:$0x1F560] =	vst v63  }
0x2b: {  	s0 =	simm.s32 $0x16050  }
0x2c: {  	[tilespmem:s24], [sflag:$0x1] =	stream.indirect.gather [hbm4b:s5+s21], $0x80, s0, s21, $0xb8;
	[tilespmem:$0x1F560] =	vst v63  }
0x2d: {  	_ =	swait.ge [sflag:s25], $0x1800  }
0x2e: {  	[sflag:s25] =	ssyncset.done $0x0  }
0x2f: {  	[sflag:s25] =	ssyncadd.s32 $0xFFFFE800  }
0x30: {  	[spmem:s1] =	stream.indirect.scatter.add.f32 [tilespmem:s22], [sflag:$0x2], $0x80, s20, s21, $0xb8;
	[tilespmem:$0x1F560] =	vst v63  }
0x31: {  	s31 =	simm.s32 $0x16080  }
0x32: {  	[tilespmem:s28], [sflag:$0x1] =	stream.indirect.gather [hbm4b:s5+s21], $0x80, s31, s21, $0xb8;
	[tilespmem:$0x1F560] =	vst v63  }
0x33: {  	_ =	swait.ge [sflag:s25], $0x1800  }
0x34: {  	[sflag:s25] =	ssyncset.done $0x0  }
0x35: {  	s3 =	simm.s32 $0x18570;
	[sflag:s25] =	ssyncadd.s32 $0xFFFFE800  }
0x36: {  	[spmem:s1] =	stream.indirect.scatter.add.f32 [tilespmem:s24], [sflag:$0x2], $0x80, s3, s21, $0xb8;
	[tilespmem:$0x1F560] =	vst v63  }
0x37: {  	_ =	swait.ge [sflag:s30], $0x1800  }
0x38: {  	[sflag:s30] =	ssyncset.done $0x0  }
0x39: {  	s31 =	simm.s32 $0x160B0;
	[sflag:s30] =	ssyncadd.s32 $0xFFFFE800  }
0x3a: {  	[tilespmem:s22], [sflag:$0x1] =	stream.indirect.gather [hbm4b:s5+s21], $0x80, s31, s21, $0xb8;
	[tilespmem:$0x1F560] =	vst v63  }
0x3b: {  	_ =	swait.ge [sflag:s25], $0x1800  }
0x3c: {  	[sflag:s25] =	ssyncset.done $0x0  }
0x3d: {  	s3 =	simm.s32 $0x185A0;
	[sflag:s25] =	ssyncadd.s32 $0xFFFFE800  }
0x3e: {  	[spmem:s1] =	stream.indirect.scatter.add.f32 [tilespmem:s28], [sflag:$0x2], $0x80, s3, s21, $0xb8;
	[tilespmem:$0x1F560] =	vst v63  }
0x3f: {  	_ =	swait.ge [sflag:s30], $0x1800  }
0x40: {  	[sflag:s30] =	ssyncset.done $0x0  }
0x41: {  	s29 =	simm.s32 $0x0;
	s31 =	simm.s32 $0x160E0;
	[sflag:s30] =	ssyncadd.s32 $0xFFFFE800  }
0x42: {  	[tilespmem:s24], [sflag:$0x1] =	stream.indirect.gather [hbm4b:s5+s21], $0x80, s31, s21, $0xb8;
	[tilespmem:$0x1F560] =	vst v63  }
.LBB2_2:
0x43: {  	_ =	swait.ge [sflag:s25], $0x1800  }
0x44: {  	s31 =	sshra.s32 s29, $0x2;
	[sflag:s25] =	ssyncset.done $0x0  }
0x45: {  	s0 =	sadd.s32 $0x185D0, s31;
	[sflag:s25] =	ssyncadd.s32 $0xFFFFE800  }
0x46: {  	[spmem:s1] =	stream.indirect.scatter.add.f32 [tilespmem:s22], [sflag:$0x2], $0x80, s0, s21, $0xb8;
	[tilespmem:$0x1F560] =	vst v63  }
0x47: {  	_ =	swait.ge [sflag:s30], $0x1800  }
0x48: {  	[sflag:s30] =	ssyncset.done $0x0  }
0x49: {  	s3 =	sadd.s32 $0x16110, s31;
	[sflag:s30] =	ssyncadd.s32 $0xFFFFE800  }
0x4a: {  	[tilespmem:s28], [sflag:$0x1] =	stream.indirect.gather [hbm4b:s5+s21], $0x80, s3, s21, $0xb8;
	[tilespmem:$0x1F560] =	vst v63  }
0x4b: {  	_ =	swait.ge [sflag:s25], $0x1800  }
0x4c: {  	p0 =	seq.s32 s29, $0x9000;
	[sflag:s25] =	ssyncset.done $0x0  }
.Ltmp0:
0x4d: {  	s3 =	sadd.s32 $0x18600, s31;
	[sflag:s25] =	ssyncadd.s32 $0xFFFFE800;
	(pc) =	sbr.rel @p0 .LBB2_4-.Ltmp0, $4  }
0x4e: {  	[spmem:s1] =	stream.indirect.scatter.add.f32 [tilespmem:s24], [sflag:$0x2], $0x80, s3, s21, $0xb8;
	[tilespmem:$0x1F560] =	vst v63  }
0x4f: {  	_ =	swait.ge [sflag:s30], $0x1800  }
0x50: {  	[sflag:s30] =	ssyncset.done $0x0  }
0x51: {  	s0 =	sadd.s32 $0x18630, s31;
	[sflag:s30] =	ssyncadd.s32 $0xFFFFE800  }
0x52: {  	s3 =	sadd.s32 $0x16140, s31  }
0x53: {  	[tilespmem:s22], [sflag:$0x1] =	stream.indirect.gather [hbm4b:s5+s21], $0x80, s3, s21, $0xb8;
	[tilespmem:$0x1F560] =	vst v63  }
0x54: {  	_ =	swait.ge [sflag:s25], $0x1800  }
0x55: {  	[sflag:s25] =	ssyncset.done $0x0  }
0x56: {  	[sflag:s25] =	ssyncadd.s32 $0xFFFFE800  }
0x57: {  	[spmem:s1] =	stream.indirect.scatter.add.f32 [tilespmem:s28], [sflag:$0x2], $0x80, s0, s21, $0xb8;
	[tilespmem:$0x1F560] =	vst v63  }
.Ltmp1:
0x58: {  	_ = 	snop;
	(pc) =	sbr.rel .LBB2_2-.Ltmp1, $4  }
0x59: {  	_ =	swait.ge [sflag:s30], $0x1800  }
0x5a: {  	[sflag:s30] =	ssyncset.done $0x0  }
0x5b: {  	s31 =	sadd.s32 $0x16170, s31;
	s29 =	sadd.s32 $0x240, s29;
	[sflag:s30] =	ssyncadd.s32 $0xFFFFE800  }
0x5c: {  	[tilespmem:s24], [sflag:$0x1] =	stream.indirect.gather [hbm4b:s5+s21], $0x80, s31, s21, $0xb8;
	[tilespmem:$0x1F560] =	vst v63  }
.LBB2_4:
0x5d: {  	_ =	swait.ge [sflag:s25], $0x1800  }
0x5e: {  	[sflag:s25] =	ssyncset.done $0x0  }
0x5f: {  	[sflag:s25] =	ssyncadd.s32 $0xFFFFE800  }
0x60: {  	[spmem:s1] =	stream.indirect.scatter.add.f32 [tilespmem:s28], [sflag:$0x2], $0x80, s0, s21, $0xb8;
	[tilespmem:$0x1F560] =	vst v63  }
0x61: {  	_ =	swait.ge [sflag:s30], $0x1800  }
0x62: {  	[sflag:s30] =	ssyncset.done $0x0  }
0x63: {  	[sflag:s30] =	ssyncadd.s32 $0xFFFFE800  }
0x64: {  	_ =	swait.ge [sflag:s30], $0x1800  }
0x65: {  	p0 =	por $0x1, $0x1;
	[sflag:s30] =	ssyncset.done $0x0  }
0x66: {  	s29 =	simm.s32 $0x18540;
	s0 =	simm.s32 @!p0 $0x3;
	[sflag:s30] =	ssyncadd.s32 $0xFFFFE800  }
0x67: {  	[spmem:s2] =	stream.indirect.scatter.add.f32 [tilespmem:s18], [sflag:$0x3], $0x10, s29, s21, $0xb8;
	[tilespmem:$0x1F560] =	vst v63  }
0x68: {  	_ =	swait.ge @!p0 [sflag:s0], $0x300  }
0x69: {  	s31 =	simm.s32 $0x1;
	[sflag:s0] =	ssyncset.done @!p0 $0x0  }
.LBB2_5:
0x6a: {  	[sflag:s0] =	ssyncadd.s32 @!p0 $0xFFFFFD00  }
0x6b: {  	s29 =	sadd.s32 $0x30, s29;
	s0 =	smov.u32 s31;
	s31 =	sadd.s32 $0x1, s31  }
0x6c: {  	p1 =	sne.s32 s31, $0xC6  }
0x6d: {  	[spmem:s2] =	stream.indirect.scatter.add.f32 [tilespmem:s18], [sflag:$0x3], $0x10, s29, s21, $0xb8;
	[tilespmem:$0x1F560] =	vst v63  }
.Ltmp2:
0x6e: {  	_ = 	snop;
	(pc) =	sbr.rel @p1 .LBB2_5-.Ltmp2, $4  }
0x6f: {  	p0 =	slt.u32 s0, $0x8  }
0x70: {  	s0 =	simm.s32 @!p0 $0x3  }
0x71: {  	_ =	swait.ge @!p0 [sflag:s0], $0x300  }
0x72: {  	[sflag:s0] =	ssyncset.done @!p0 $0x0  }
0x73: {  	[sflag:s0] =	ssyncadd.s32 @!p0 $0xFFFFFD00  }
0x74: {  	_ =	swait.ge [sflag:s23], $0x300  }
0x75: {  	[sflag:s23] =	ssyncset.done $0x0  }
0x76: {  	[sflag:s23] =	ssyncadd.s32 $0xFFFFFD00  }
0x77: {  	_ =	swait.ge [sflag:s23], $0x300  }
0x78: {  	[sflag:s23] =	ssyncset.done $0x0  }
0x79: {  	[sflag:s23] =	ssyncadd.s32 $0xFFFFFD00  }
0x7a: {  	_ =	swait.ge [sflag:s23], $0x300  }
0x7b: {  	[sflag:s23] =	ssyncset.done $0x0  }
0x7c: {  	[sflag:s23] =	ssyncadd.s32 $0xFFFFFD00  }
0x7d: {  	_ =	swait.ge [sflag:s23], $0x300  }
0x7e: {  	[sflag:s23] =	ssyncset.done $0x0  }
0x7f: {  	[sflag:s23] =	ssyncadd.s32 $0xFFFFFD00  }
0x80: {  	_ =	swait.ge [sflag:s23], $0x300  }
0x81: {  	[sflag:s23] =	ssyncset.done $0x0  }
0x82: {  	[sflag:s23] =	ssyncadd.s32 $0xFFFFFD00  }
0x83: {  	_ =	swait.ge [sflag:s23], $0x300  }
0x84: {  	[sflag:s23] =	ssyncset.done $0x0  }
0x85: {  	[sflag:s23] =	ssyncadd.s32 $0xFFFFFD00  }
0x86: {  	_ =	swait.ge [sflag:s23], $0x300  }
0x87: {  	[sflag:s23] =	ssyncset.done $0x0  }
0x88: {  	[sflag:s23] =	ssyncadd.s32 $0xFFFFFD00  }
0x89: {  	_ =	swait.ge [sflag:s23], $0x300  }
0x8a: {  	[sflag:s23] =	ssyncset.done $0x0  }
0x8b: {  	[sflag:s23] =	ssyncadd.s32 $0xFFFFFD00  }
0x8c: {  	[bflag:$0x0] =	sbarrier.arrive $0xFFFF  }
0x8d: {  	[hbm:s12], [sflag:s9] =	dma.local [spmem:s15], $0x2720  }
0x8e: {  	s26 =	sadd.s32 $0x1, s26;
	_ =	swait.ge [sflag:s16], $0x2720  }
0x8f: {  	p0 =	sne.s32 s26, s14;
	[sflag:s16] =	ssyncset.done $0x0  }
.Ltmp3:
0x90: {  	[sflag:s16] =	ssyncadd.s32 $0xFFFFD8E0;
	(pc) =	sbr.rel @p0 .LBB2_1-.Ltmp3, $4  }
0x91: {  	[hbm:s13], [sflag:s9] =	dma.local [spmem:s17], $0x4E4  }
0x92: {  	_ =	swait.ge [sflag:s16], $0x4E4  }
0x93: {  	[sflag:s16] =	ssyncset.done $0x0  }
0x94: {  	[sflag:s16] =	ssyncadd.s32 $0xFFFFFB1C  }
0x95: {  	_ =	sfence.sel $0x180000  }
0x96: {  	[bflag:$0x0] =	sbarrier.arrive $0xFFFF  }
0x97: {  	_ =	strace $0x90000047  }
0x98: {  	s0 =	stileid.u32;
	[bflag:$0x2] =	sbarrier.arrive $0xFFFF  }
0x99: {  	p0 =	sne.s32 s0, $0x0;
	s0 =	rddreg [dreg:$0x4]  }
0x9a: {  	s0 =	sadd.s32 @!p0 $0x100000, s0  }
0x9b: {  	[sflag:s0] =	ssyncadd.tile.s32 @!p0 $0x1;
	_ =	shalt  }
.Lfunc_end2:
_tile_overlayer_lowered:
.L_overlay_start_2:
0x9c: {  	(tag) =	ssettag $0x2  }
0x9d: {  	s0 =	rddreg [dreg:$0x0];
	s2 =	stileid.u32  }
0x9e: {  	s1 =	rddreg [dreg:$0x1];
	p0 =	sne.s32 s2, $0x0  }
0x9f: {  	s3 =	rddreg [dreg:$0x2];
	[bflag:$0x3] =	sbarrier.arrive $0xFFFF;
	s2 =	simm.s32 @!p0 $0x1C04  }
0xa0: {  	[timem:s3], [sflag:s2] =	dma.local @!p0 [hbm:s0], s1  }
0xa1: {  	s0 =	simm.s32 @!p0 $0x4  }
0xa2: {  	_ =	swait.ge @!p0 [sflag:s0], s1  }
0xa3: {  	s1 =	ssub.s32 @!p0 $0x0, s1;
	[sflag:s0] =	ssyncset.done @!p0 $0x0  }
0xa4: {  	[sflag:s0] =	ssyncadd.s32 @!p0 s1  }
0xa5: {  	[bflag:$0x3] =	sbarrier.arrive $0xFFFF  }
0xa6: {  	_ =	shalt  }

</sc_bundles>
